<compile_context>
chip_gen: v7x
topology: tpu7x:2x2x1
jax: 0.10.2.dev20260603
libtpu: 0.0.44.dev20260713+nightly
codegen_flags: <defaults>
</compile_context>

<pallas_src>
import functools

import jax
import jax.numpy as jnp
from jax import lax
from jax.experimental import pallas as pl
from jax.experimental.pallas import tpu as pltpu
from jax.experimental.pallas import tpu_sc as plsc

N = 500000
NBINS = 64
L = 16
NW = 32
CH = 15616
TAIL_BASE = NW * CH
TAIL_VECS = (N - TAIL_BASE) // L
ROWS = 144
TABW = ROWS * L


def _sc_histogram(acts, labels):
  mesh = plsc.VectorSubcoreMesh(core_axis_name="c", subcore_axis_name="s")

  @functools.partial(
      pl.kernel,
      mesh=mesh,
      out_type=jax.ShapeDtypeStruct((NW, TABW), jnp.float32),
      compiler_params=pltpu.CompilerParams(needs_layout_passes=False),
      scratch_types=[
          pltpu.VMEM((CH,), jnp.float32),
          pltpu.VMEM((CH,), jnp.int32),
          pltpu.VMEM((L,), jnp.float32),
          pltpu.VMEM((L,), jnp.int32),
          pltpu.VMEM((TABW,), jnp.float32),
          pltpu.SemaphoreType.DMA,
          pltpu.SemaphoreType.DMA,
          pltpu.SemaphoreType.DMA,
      ],
  )
  def k(acts_hbm, lbl_hbm, out_hbm, acts_v, lbl_v, acts_t, lbl_t, tab, sem0, sem1, sem2):
    cid = lax.axis_index("c")
    sid = lax.axis_index("s")
    wid = cid * 16 + sid
    off = wid * CH

    H = CH // 2
    cpa0 = pltpu.async_copy(acts_hbm.at[pl.ds(off, H)], acts_v.at[pl.ds(0, H)], sem0)
    cpl0 = pltpu.async_copy(lbl_hbm.at[pl.ds(off, H)], lbl_v.at[pl.ds(0, H)], sem0)
    cpa1 = pltpu.async_copy(acts_hbm.at[pl.ds(off + H, H)], acts_v.at[pl.ds(H, H)], sem1)
    cpl1 = pltpu.async_copy(lbl_hbm.at[pl.ds(off + H, H)], lbl_v.at[pl.ds(H, H)], sem1)

    is_tail = wid < TAIL_VECS
    toff = TAIL_BASE + wid * L

    @pl.when(is_tail)
    def _():
      pltpu.async_copy(acts_hbm.at[pl.ds(toff, L)], acts_t, sem2)
      pltpu.async_copy(lbl_hbm.at[pl.ds(toff, L)], lbl_t, sem2)

    zeros = jnp.zeros((L,), jnp.float32)

    def zbody(i, carry):
      tab[pl.ds(i * L, L)] = zeros
      return carry

    lax.fori_loop(0, ROWS, zbody, 0)

    lane144 = lax.iota(jnp.int32, L) * ROWS

    def prep(x, g):
      s = 1.0 / (1.0 + jnp.exp(-x))
      t = jnp.maximum(s * 64.0 - 64e-6, 0.0)
      bi = t.astype(jnp.int32)
      frac = t - bi.astype(jnp.float32)
      base = lane144 + g * 72 + bi
      return base, frac

    def accum(x, g):
      base, frac = prep(x, g)
      plsc.addupdate_scatter(tab, [base], 1.0 - frac)
      plsc.addupdate_scatter(tab, [base + 1], frac)

    K = 2

    def body(i):
      o = i * (L * K)
      pairs = [prep(acts_v[pl.ds(o + k * L, L)], lbl_v[pl.ds(o + k * L, L)])
               for k in range(K)]
      for base, frac in pairs:
        plsc.addupdate_scatter(tab, [base], 1.0 - frac)
        plsc.addupdate_scatter(tab, [base + 1], frac)

    NIT = CH // (L * K)
    cpa0.wait()
    cpl0.wait()
    plsc.parallel_loop(0, NIT // 2)(body)
    cpa1.wait()
    cpl1.wait()
    plsc.parallel_loop(NIT // 2, NIT)(body)

    @pl.when(is_tail)
    def _():
      pltpu.make_async_copy(acts_hbm.at[pl.ds(toff, L)], acts_t, sem2).wait()
      pltpu.make_async_copy(lbl_hbm.at[pl.ds(toff, L)], lbl_t, sem2).wait()
      accum(acts_t[...], lbl_t[...])

    pltpu.sync_copy(tab, out_hbm.at[wid])

  return k(acts, labels)


def _emd_body(p_ref, out_ref):
  p = p_ref[...]
  colsum = jnp.sum(p, axis=0, keepdims=True)
  rows = colsum[:, 0:ROWS]
  for l in range(1, L):
    rows = rows + colsum[:, l * ROWS:(l + 1) * ROWS]
  a = rows[:, 0:NBINS]
  b = rows[:, 72:72 + NBINS]
  d = a / jnp.sum(a) - b / jnp.sum(b)
  kk = lax.broadcasted_iota(jnp.int32, (NBINS, NBINS), 0)
  jj = lax.broadcasted_iota(jnp.int32, (NBINS, NBINS), 1)
  mask = (jj <= kk).astype(jnp.float32)
  c = jnp.sum(jnp.broadcast_to(d, (NBINS, NBINS)) * mask, axis=1, keepdims=True)
  m = (lax.broadcasted_iota(jnp.int32, (NBINS, 1), 0) < NBINS - 1).astype(jnp.float32)
  out_ref[...] = jnp.sum(jnp.abs(c) * m, axis=0, keepdims=True)


def kernel(acts, group_labels):
  partials = _sc_histogram(acts, group_labels)
  loss = pl.pallas_call(
      _emd_body,
      out_shape=jax.ShapeDtypeStruct((1, 1), jnp.float32),
  )(partials)
  return loss[0, 0]

# --- scband reference (transcript-rebuilt; emitter-appended) ---
"""Pipeline reference for scband-wasserstein-barycenter-10952166604972 (READ-ONLY COPY).

The authoritative reference and input builder live on the scoring server;
editing this copy changes nothing except your own understanding.
"""

import jax, jax.numpy as jnp
import numpy as np

NBINS = 64
N = 500000


def setup_inputs(seed: int = 0) -> dict:
    key = jax.random.key(seed)
    k1, k2 = jax.random.split(key)
    acts = jax.random.normal(k1, (N,), dtype=jnp.float32)
    group_labels = jax.random.randint(k2, (N,), 0, 2, dtype=jnp.int32)
    return {"acts": acts, "group_labels": group_labels}


def _gen_hist(cdfs, mask, nbins):
    # HistoBin: soft triangular-kernel histogram restricted to masked elements
    r = 1.0 / nbins
    locs = jnp.arange(0.0, 1.0, r, dtype=cdfs.dtype)
    counts = []
    for i in range(nbins):
        dist = jnp.abs(cdfs - locs[i])
        ct = jnp.sum(jax.nn.relu(r - dist) * mask)
        counts.append(ct)
    out = jnp.stack(counts)
    out = out / (jnp.sum(out) + 1e-06)   # HistoBin norm=True
    return out / jnp.sum(out)            # genHists extra normalization


def reference(acts, group_labels):
    nbins = NBINS
    # genHists: sigmoid cdf transform
    cdfs = jax.nn.sigmoid(acts) - 1e-06
    # torch.unique(group_labels) -> two groups {0,1}
    groups = jnp.array([0, 1], dtype=group_labels.dtype)
    dists = []
    for g in range(2):
        mask = (group_labels == groups[g]).astype(cdfs.dtype)
        dists.append(_gen_hist(cdfs, mask, nbins))
    a, b = dists
    # OTWBLoss: ot.emd2(a, b, M) with M[i,j] = |i-j| (minkowski in 1D).
    # For 1D convex ground cost this equals the exact closed form:
    # sum_k |CDF_a(k) - CDF_b(k)| * spacing, spacing = 1.
    c = jnp.cumsum(a - b)
    loss = jnp.sum(jnp.abs(c[:-1]))
    return loss

if __name__ == "__main__":
    import jax
    _d = setup_inputs()
    print(jax.jit(kernel)(*tuple(_d.values())))

</pallas_src>

<mosaic_0001>
#map = affine_map<(d0, d1) -> (0)>
#map1 = affine_map<(d0, d1) -> (0, 0)>
module attributes {stable_mosaic.version = 14 : i64} {
  func.func @k(%arg0: i32, %arg1: i32, %arg2: memref<500000xf32, #tpu.memory_space<hbm>>, %arg3: memref<500000xi32, #tpu.memory_space<hbm>>, %arg4: memref<32x2304xf32, #tpu.memory_space<hbm>>, %arg5: memref<15616xf32, #tpu.memory_space<vmem>>, %arg6: memref<15616xi32, #tpu.memory_space<vmem>>, %arg7: memref<16xf32, #tpu.memory_space<vmem>>, %arg8: memref<16xi32, #tpu.memory_space<vmem>>, %arg9: memref<2304xf32, #tpu.memory_space<vmem>>, %arg10: memref<!tpu.dma_semaphore, #tpu.memory_space<semaphore_mem>>, %arg11: memref<!tpu.dma_semaphore, #tpu.memory_space<semaphore_mem>>, %arg12: memref<!tpu.dma_semaphore, #tpu.memory_space<semaphore_mem>>) attributes {dimension_semantics = [#tpu.dimension_semantics<core_parallel>, #tpu.dimension_semantics<subcore_parallel>], iteration_bounds = array<i64: 2, 16>, scalar_prefetch = 0 : i64, scratch_operands = 8 : i64, tpu.core_type = #tpu.core_type<sc_vector_subcore>, window_params = [{transform_indices = #map}, {transform_indices = #map}, {transform_indices = #map1}]} {
    %mul3A = arith.constant 16 : i32
    %mul3A_0 = arith.muli %arg0, %mul3A : i32
    %add3A = arith.addi %mul3A_0, %arg1 : i32
    %mul3A_1 = arith.constant 15616 : i32
    %mul3A_2 = arith.muli %add3A, %mul3A_1 : i32
    %dma_start3A = arith.constant 0 : i32
    %dma_start3A_3 = tpu.memref_slice %arg5[%dma_start3A] : memref<15616xf32, #tpu.memory_space<vmem>> -> memref<7808xf32, #tpu.memory_space<vmem>>
    %dma_start3A_4 = tpu.memref_slice %arg2[%mul3A_2] : memref<500000xf32, #tpu.memory_space<hbm>> -> memref<7808xf32, #tpu.memory_space<hbm>>
    %dma_start3A_5 = arith.constant 0 : i32
    %dma_start3A_6 = tpu.memref_slice %arg5[%dma_start3A_5] : memref<15616xf32, #tpu.memory_space<vmem>> -> memref<7808xf32, #tpu.memory_space<vmem>>
    %dma_start3A_7 = tpu.memref_slice %arg2[%mul3A_2] : memref<500000xf32, #tpu.memory_space<hbm>> -> memref<7808xf32, #tpu.memory_space<hbm>>
    tpu.enqueue_dma source(%dma_start3A_7 : memref<7808xf32, #tpu.memory_space<hbm>>) target(%dma_start3A_6 : memref<7808xf32, #tpu.memory_space<vmem>>) target_semaphore(%arg10 : memref<!tpu.dma_semaphore, #tpu.memory_space<semaphore_mem>>)
    %dma_start3A_8 = arith.constant 0 : i32
    %dma_start3A_9 = tpu.memref_slice %arg6[%dma_start3A_8] : memref<15616xi32, #tpu.memory_space<vmem>> -> memref<7808xi32, #tpu.memory_space<vmem>>
    %dma_start3A_10 = tpu.memref_slice %arg3[%mul3A_2] : memref<500000xi32, #tpu.memory_space<hbm>> -> memref<7808xi32, #tpu.memory_space<hbm>>
    %dma_start3A_11 = arith.constant 0 : i32
    %dma_start3A_12 = tpu.memref_slice %arg6[%dma_start3A_11] : memref<15616xi32, #tpu.memory_space<vmem>> -> memref<7808xi32, #tpu.memory_space<vmem>>
    %dma_start3A_13 = tpu.memref_slice %arg3[%mul3A_2] : memref<500000xi32, #tpu.memory_space<hbm>> -> memref<7808xi32, #tpu.memory_space<hbm>>
    tpu.enqueue_dma source(%dma_start3A_13 : memref<7808xi32, #tpu.memory_space<hbm>>) target(%dma_start3A_12 : memref<7808xi32, #tpu.memory_space<vmem>>) target_semaphore(%arg10 : memref<!tpu.dma_semaphore, #tpu.memory_space<semaphore_mem>>)
    %add3A_14 = arith.constant 7808 : i32
    %add3A_15 = arith.addi %mul3A_2, %add3A_14 : i32
    %dma_start3A_16 = arith.constant 7808 : i32
    %dma_start3A_17 = tpu.memref_slice %arg5[%dma_start3A_16] : memref<15616xf32, #tpu.memory_space<vmem>> -> memref<7808xf32, #tpu.memory_space<vmem>>
    %dma_start3A_18 = tpu.memref_slice %arg2[%add3A_15] : memref<500000xf32, #tpu.memory_space<hbm>> -> memref<7808xf32, #tpu.memory_space<hbm>>
    %dma_start3A_19 = arith.constant 7808 : i32
    %dma_start3A_20 = tpu.memref_slice %arg5[%dma_start3A_19] : memref<15616xf32, #tpu.memory_space<vmem>> -> memref<7808xf32, #tpu.memory_space<vmem>>
    %dma_start3A_21 = tpu.memref_slice %arg2[%add3A_15] : memref<500000xf32, #tpu.memory_space<hbm>> -> memref<7808xf32, #tpu.memory_space<hbm>>
    tpu.enqueue_dma source(%dma_start3A_21 : memref<7808xf32, #tpu.memory_space<hbm>>) target(%dma_start3A_20 : memref<7808xf32, #tpu.memory_space<vmem>>) target_semaphore(%arg11 : memref<!tpu.dma_semaphore, #tpu.memory_space<semaphore_mem>>)
    %add3A_22 = arith.constant 7808 : i32
    %add3A_23 = arith.addi %mul3A_2, %add3A_22 : i32
    %dma_start3A_24 = arith.constant 7808 : i32
    %dma_start3A_25 = tpu.memref_slice %arg6[%dma_start3A_24] : memref<15616xi32, #tpu.memory_space<vmem>> -> memref<7808xi32, #tpu.memory_space<vmem>>
    %dma_start3A_26 = tpu.memref_slice %arg3[%add3A_23] : memref<500000xi32, #tpu.memory_space<hbm>> -> memref<7808xi32, #tpu.memory_space<hbm>>
    %dma_start3A_27 = arith.constant 7808 : i32
    %dma_start3A_28 = tpu.memref_slice %arg6[%dma_start3A_27] : memref<15616xi32, #tpu.memory_space<vmem>> -> memref<7808xi32, #tpu.memory_space<vmem>>
    %dma_start3A_29 = tpu.memref_slice %arg3[%add3A_23] : memref<500000xi32, #tpu.memory_space<hbm>> -> memref<7808xi32, #tpu.memory_space<hbm>>
    tpu.enqueue_dma source(%dma_start3A_29 : memref<7808xi32, #tpu.memory_space<hbm>>) target(%dma_start3A_28 : memref<7808xi32, #tpu.memory_space<vmem>>) target_semaphore(%arg11 : memref<!tpu.dma_semaphore, #tpu.memory_space<semaphore_mem>>)
    %lt3A = arith.constant 18 : i32
    %lt3A_30 = arith.cmpi slt, %add3A, %lt3A : i32
    %mul3A_31 = arith.constant 16 : i32
    %mul3A_32 = arith.muli %add3A, %mul3A_31 : i32
    %add3A_33 = arith.constant 499712 : i32
    %add3A_34 = arith.addi %add3A_33, %mul3A_32 : i32
    %convert_element_type3A = arith.extui %lt3A_30 : i1 to i32
    %cond3A = arith.constant 0 : i32
    %cond3A_35 = arith.cmpi ne, %convert_element_type3A, %cond3A : i32
    scf.if %cond3A_35 {
      %dma_start3A_76 = tpu.memref_slice %arg2[%add3A_34] : memref<500000xf32, #tpu.memory_space<hbm>> -> memref<16xf32, #tpu.memory_space<hbm>>
      %dma_start3A_77 = tpu.memref_slice %arg2[%add3A_34] : memref<500000xf32, #tpu.memory_space<hbm>> -> memref<16xf32, #tpu.memory_space<hbm>>
      tpu.enqueue_dma source(%dma_start3A_77 : memref<16xf32, #tpu.memory_space<hbm>>) target(%arg7 : memref<16xf32, #tpu.memory_space<vmem>>) target_semaphore(%arg12 : memref<!tpu.dma_semaphore, #tpu.memory_space<semaphore_mem>>)
      %dma_start3A_78 = tpu.memref_slice %arg3[%add3A_34] : memref<500000xi32, #tpu.memory_space<hbm>> -> memref<16xi32, #tpu.memory_space<hbm>>
      %dma_start3A_79 = tpu.memref_slice %arg3[%add3A_34] : memref<500000xi32, #tpu.memory_space<hbm>> -> memref<16xi32, #tpu.memory_space<hbm>>
      tpu.enqueue_dma source(%dma_start3A_79 : memref<16xi32, #tpu.memory_space<hbm>>) target(%arg8 : memref<16xi32, #tpu.memory_space<vmem>>) target_semaphore(%arg12 : memref<!tpu.dma_semaphore, #tpu.memory_space<semaphore_mem>>)
    } else {
    }
    %broadcast_in_dim3A = arith.constant 0.000000e+00 : f32
    %broadcast_in_dim3A_36 = vector.broadcast %broadcast_in_dim3A : f32 to vector<16xf32>
    %scan3A = arith.constant 0 : i32
    %scan3A_37 = arith.constant 0 : i32
    %scan3A_38 = arith.constant 144 : i32
    %scan3A_39 = arith.addi %scan3A_37, %scan3A_38 : i32
    %scan3A_40 = arith.constant 1 : i32
    scf.for %scan3A_76 = %scan3A_37 to %scan3A_39 step %scan3A_40  : i32 {
      %mul3A_77 = arith.constant 16 : i32
      %mul3A_78 = arith.muli %scan3A_76, %mul3A_77 : i32
      %swap3A = arith.index_cast %mul3A_78 : i32 to index
      %swap3A_79 = tpu.vector_load %arg9[%swap3A] {strides = array<i32>} : memref<2304xf32, #tpu.memory_space<vmem>>, vector<16xf32>,
      tpu.vector_store %arg9[%swap3A], %broadcast_in_dim3A_36 {strides = array<i32>} : memref<2304xf32, #tpu.memory_space<vmem>>, vector<16xf32>,
    }
    %scan3A_41 = arith.constant 144 : i32
    %iota3A = tpu.iota {dimensions = array<i32: 0>} : vector<16xi32>
    %mul3A_42 = arith.constant 144 : i32
    %mul3A_43 = vector.broadcast %mul3A_42 : i32 to vector<16xi32>
    %mul3A_44 = arith.muli %iota3A, %mul3A_43 : vector<16xi32>
    %dma_wait3A = arith.constant 0 : i32
    %dma_wait3A_45 = tpu.memref_slice %arg5[%dma_wait3A] : memref<15616xf32, #tpu.memory_space<vmem>> -> memref<7808xf32, #tpu.memory_space<vmem>>
    %dma_wait3A_46 = tpu.memref_slice %arg2[%mul3A_2] : memref<500000xf32, #tpu.memory_space<hbm>> -> memref<7808xf32, #tpu.memory_space<hbm>>
    %dma_wait3A_47 = arith.constant 0 : i32
    %dma_wait3A_48 = tpu.memref_slice %arg5[%dma_wait3A_47] : memref<15616xf32, #tpu.memory_space<vmem>> -> memref<7808xf32, #tpu.memory_space<vmem>>
    %dma_wait3A_49 = tpu.memref_slice %arg2[%mul3A_2] : memref<500000xf32, #tpu.memory_space<hbm>> -> memref<7808xf32, #tpu.memory_space<hbm>>
    tpu.wait_dma2 semaphore(%arg10 : memref<!tpu.dma_semaphore, #tpu.memory_space<semaphore_mem>>) src(%dma_wait3A_49 : memref<7808xf32, #tpu.memory_space<hbm>>) dst(%dma_wait3A_48 : memref<7808xf32, #tpu.memory_space<vmem>>)
    %dma_wait3A_50 = arith.constant 0 : i32
    %dma_wait3A_51 = tpu.memref_slice %arg6[%dma_wait3A_50] : memref<15616xi32, #tpu.memory_space<vmem>> -> memref<7808xi32, #tpu.memory_space<vmem>>
    %dma_wait3A_52 = tpu.memref_slice %arg3[%mul3A_2] : memref<500000xi32, #tpu.memory_space<hbm>> -> memref<7808xi32, #tpu.memory_space<hbm>>
    %dma_wait3A_53 = arith.constant 0 : i32
    %dma_wait3A_54 = tpu.memref_slice %arg6[%dma_wait3A_53] : memref<15616xi32, #tpu.memory_space<vmem>> -> memref<7808xi32, #tpu.memory_space<vmem>>
    %dma_wait3A_55 = tpu.memref_slice %arg3[%mul3A_2] : memref<500000xi32, #tpu.memory_space<hbm>> -> memref<7808xi32, #tpu.memory_space<hbm>>
    tpu.wait_dma2 semaphore(%arg10 : memref<!tpu.dma_semaphore, #tpu.memory_space<semaphore_mem>>) src(%dma_wait3A_55 : memref<7808xi32, #tpu.memory_space<hbm>>) dst(%dma_wait3A_54 : memref<7808xi32, #tpu.memory_space<vmem>>)
    %parallel_loop3A = arith.constant 0 : i32
    %parallel_loop3A_56 = arith.constant 244 : i32
    %parallel_loop3A_57 = arith.constant 1 : i32
    scf.for %parallel_loop3A_76 = %parallel_loop3A to %parallel_loop3A_56 step %parallel_loop3A_57  : i32 {
      %parallel_loop3A_77 = arith.constant 32 : i32
      %parallel_loop3A_78 = arith.muli %parallel_loop3A_76, %parallel_loop3A_77 : i32
      %parallel_loop3A_79 = arith.constant 0 : i32
      %parallel_loop3A_80 = arith.addi %parallel_loop3A_78, %parallel_loop3A_79 : i32
      %parallel_loop3A_81 = arith.index_cast %parallel_loop3A_80 : i32 to index
      %parallel_loop3A_82 = tpu.vector_load %arg5[%parallel_loop3A_81] {strides = array<i32>} : memref<15616xf32, #tpu.memory_space<vmem>>, vector<16xf32>,
      %parallel_loop3A_83 = arith.constant 0 : i32
      %parallel_loop3A_84 = arith.addi %parallel_loop3A_78, %parallel_loop3A_83 : i32
      %parallel_loop3A_85 = arith.index_cast %parallel_loop3A_84 : i32 to index
      %parallel_loop3A_86 = tpu.vector_load %arg6[%parallel_loop3A_85] {strides = array<i32>} : memref<15616xi32, #tpu.memory_space<vmem>>, vector<16xi32>,
      %parallel_loop3A_87 = arith.constant 0.000000e+00 : f32
      %parallel_loop3A_88 = vector.broadcast %parallel_loop3A_87 : f32 to vector<16xf32>
      %parallel_loop3A_89 = arith.subf %parallel_loop3A_88, %parallel_loop3A_82 : vector<16xf32>
      %parallel_loop3A_90 = math.exp %parallel_loop3A_89 : vector<16xf32>
      %parallel_loop3A_91 = arith.constant 1.000000e+00 : f32
      %parallel_loop3A_92 = vector.broadcast %parallel_loop3A_91 : f32 to vector<16xf32>
      %parallel_loop3A_93 = arith.addf %parallel_loop3A_92, %parallel_loop3A_90 : vector<16xf32>
      %parallel_loop3A_94 = arith.constant 1.000000e+00 : f32
      %parallel_loop3A_95 = vector.broadcast %parallel_loop3A_94 : f32 to vector<16xf32>
      %parallel_loop3A_96 = arith.divf %parallel_loop3A_95, %parallel_loop3A_93 : vector<16xf32>
      %parallel_loop3A_97 = arith.constant 6.400000e+01 : f32
      %parallel_loop3A_98 = vector.broadcast %parallel_loop3A_97 : f32 to vector<16xf32>
      %parallel_loop3A_99 = arith.mulf %parallel_loop3A_96, %parallel_loop3A_98 : vector<16xf32>
      %parallel_loop3A_100 = arith.constant 6.400000e-05 : f32
      %parallel_loop3A_101 = vector.broadcast %parallel_loop3A_100 : f32 to vector<16xf32>
      %parallel_loop3A_102 = arith.subf %parallel_loop3A_99, %parallel_loop3A_101 : vector<16xf32>
      %parallel_loop3A_103 = arith.constant 0.000000e+00 : f32
      %parallel_loop3A_104 = vector.broadcast %parallel_loop3A_103 : f32 to vector<16xf32>
      %parallel_loop3A_105 = arith.maximumf %parallel_loop3A_102, %parallel_loop3A_104 : vector<16xf32>
      %parallel_loop3A_106 = arith.fptosi %parallel_loop3A_105 : vector<16xf32> to vector<16xi32>
      %parallel_loop3A_107 = arith.sitofp %parallel_loop3A_106 : vector<16xi32> to vector<16xf32>
      %parallel_loop3A_108 = arith.subf %parallel_loop3A_105, %parallel_loop3A_107 : vector<16xf32>
      %parallel_loop3A_109 = arith.constant 72 : i32
      %parallel_loop3A_110 = vector.broadcast %parallel_loop3A_109 : i32 to vector<16xi32>
      %parallel_loop3A_111 = arith.muli %parallel_loop3A_86, %parallel_loop3A_110 : vector<16xi32>
      %parallel_loop3A_112 = arith.addi %mul3A_44, %parallel_loop3A_111 : vector<16xi32>
      %parallel_loop3A_113 = arith.addi %parallel_loop3A_112, %parallel_loop3A_106 : vector<16xi32>
      %parallel_loop3A_114 = arith.constant 16 : i32
      %parallel_loop3A_115 = arith.addi %parallel_loop3A_78, %parallel_loop3A_114 : i32
      %parallel_loop3A_116 = arith.index_cast %parallel_loop3A_115 : i32 to index
      %parallel_loop3A_117 = tpu.vector_load %arg5[%parallel_loop3A_116] {strides = array<i32>} : memref<15616xf32, #tpu.memory_space<vmem>>, vector<16xf32>,
      %parallel_loop3A_118 = arith.constant 16 : i32
      %parallel_loop3A_119 = arith.addi %parallel_loop3A_78, %parallel_loop3A_118 : i32
      %parallel_loop3A_120 = arith.index_cast %parallel_loop3A_119 : i32 to index
      %parallel_loop3A_121 = tpu.vector_load %arg6[%parallel_loop3A_120] {strides = array<i32>} : memref<15616xi32, #tpu.memory_space<vmem>>, vector<16xi32>,
      %parallel_loop3A_122 = arith.constant 0.000000e+00 : f32
      %parallel_loop3A_123 = vector.broadcast %parallel_loop3A_122 : f32 to vector<16xf32>
      %parallel_loop3A_124 = arith.subf %parallel_loop3A_123, %parallel_loop3A_117 : vector<16xf32>
      %parallel_loop3A_125 = math.exp %parallel_loop3A_124 : vector<16xf32>
      %parallel_loop3A_126 = arith.constant 1.000000e+00 : f32
      %parallel_loop3A_127 = vector.broadcast %parallel_loop3A_126 : f32 to vector<16xf32>
      %parallel_loop3A_128 = arith.addf %parallel_loop3A_127, %parallel_loop3A_125 : vector<16xf32>
      %parallel_loop3A_129 = arith.constant 1.000000e+00 : f32
      %parallel_loop3A_130 = vector.broadcast %parallel_loop3A_129 : f32 to vector<16xf32>
      %parallel_loop3A_131 = arith.divf %parallel_loop3A_130, %parallel_loop3A_128 : vector<16xf32>
      %parallel_loop3A_132 = arith.constant 6.400000e+01 : f32
      %parallel_loop3A_133 = vector.broadcast %parallel_loop3A_132 : f32 to vector<16xf32>
      %parallel_loop3A_134 = arith.mulf %parallel_loop3A_131, %parallel_loop3A_133 : vector<16xf32>
      %parallel_loop3A_135 = arith.constant 6.400000e-05 : f32
      %parallel_loop3A_136 = vector.broadcast %parallel_loop3A_135 : f32 to vector<16xf32>
      %parallel_loop3A_137 = arith.subf %parallel_loop3A_134, %parallel_loop3A_136 : vector<16xf32>
      %parallel_loop3A_138 = arith.constant 0.000000e+00 : f32
      %parallel_loop3A_139 = vector.broadcast %parallel_loop3A_138 : f32 to vector<16xf32>
      %parallel_loop3A_140 = arith.maximumf %parallel_loop3A_137, %parallel_loop3A_139 : vector<16xf32>
      %parallel_loop3A_141 = arith.fptosi %parallel_loop3A_140 : vector<16xf32> to vector<16xi32>
      %parallel_loop3A_142 = arith.sitofp %parallel_loop3A_141 : vector<16xi32> to vector<16xf32>
      %parallel_loop3A_143 = arith.subf %parallel_loop3A_140, %parallel_loop3A_142 : vector<16xf32>
      %parallel_loop3A_144 = arith.constant 72 : i32
      %parallel_loop3A_145 = vector.broadcast %parallel_loop3A_144 : i32 to vector<16xi32>
      %parallel_loop3A_146 = arith.muli %parallel_loop3A_121, %parallel_loop3A_145 : vector<16xi32>
      %parallel_loop3A_147 = arith.addi %mul3A_44, %parallel_loop3A_146 : vector<16xi32>
      %parallel_loop3A_148 = arith.addi %parallel_loop3A_147, %parallel_loop3A_141 : vector<16xi32>
      %parallel_loop3A_149 = arith.constant 1.000000e+00 : f32
      %parallel_loop3A_150 = vector.broadcast %parallel_loop3A_149 : f32 to vector<16xf32>
      %parallel_loop3A_151 = arith.subf %parallel_loop3A_150, %parallel_loop3A_108 : vector<16xf32>
      tpu.vector_store_idx %arg9[%parallel_loop3A_113], %parallel_loop3A_151 {add = true} : memref<2304xf32, #tpu.memory_space<vmem>>[vector<16xi32>], vector<16xf32>,
      %parallel_loop3A_152 = arith.constant 1 : i32
      %parallel_loop3A_153 = vector.broadcast %parallel_loop3A_152 : i32 to vector<16xi32>
      %parallel_loop3A_154 = arith.addi %parallel_loop3A_113, %parallel_loop3A_153 : vector<16xi32>
      tpu.vector_store_idx %arg9[%parallel_loop3A_154], %parallel_loop3A_108 {add = true} : memref<2304xf32, #tpu.memory_space<vmem>>[vector<16xi32>], vector<16xf32>,
      %parallel_loop3A_155 = arith.constant 1.000000e+00 : f32
      %parallel_loop3A_156 = vector.broadcast %parallel_loop3A_155 : f32 to vector<16xf32>
      %parallel_loop3A_157 = arith.subf %parallel_loop3A_156, %parallel_loop3A_143 : vector<16xf32>
      tpu.vector_store_idx %arg9[%parallel_loop3A_148], %parallel_loop3A_157 {add = true} : memref<2304xf32, #tpu.memory_space<vmem>>[vector<16xi32>], vector<16xf32>,
      %parallel_loop3A_158 = arith.constant 1 : i32
      %parallel_loop3A_159 = vector.broadcast %parallel_loop3A_158 : i32 to vector<16xi32>
      %parallel_loop3A_160 = arith.addi %parallel_loop3A_148, %parallel_loop3A_159 : vector<16xi32>
      tpu.vector_store_idx %arg9[%parallel_loop3A_160], %parallel_loop3A_143 {add = true} : memref<2304xf32, #tpu.memory_space<vmem>>[vector<16xi32>], vector<16xf32>,
    } {sc.loop_unroll_factor = 1 : i64, sc.parallel_access}
    %dma_wait3A_58 = arith.constant 7808 : i32
    %dma_wait3A_59 = tpu.memref_slice %arg5[%dma_wait3A_58] : memref<15616xf32, #tpu.memory_space<vmem>> -> memref<7808xf32, #tpu.memory_space<vmem>>
    %dma_wait3A_60 = tpu.memref_slice %arg2[%add3A_15] : memref<500000xf32, #tpu.memory_space<hbm>> -> memref<7808xf32, #tpu.memory_space<hbm>>
    %dma_wait3A_61 = arith.constant 7808 : i32
    %dma_wait3A_62 = tpu.memref_slice %arg5[%dma_wait3A_61] : memref<15616xf32, #tpu.memory_space<vmem>> -> memref<7808xf32, #tpu.memory_space<vmem>>
    %dma_wait3A_63 = tpu.memref_slice %arg2[%add3A_15] : memref<500000xf32, #tpu.memory_space<hbm>> -> memref<7808xf32, #tpu.memory_space<hbm>>
    tpu.wait_dma2 semaphore(%arg11 : memref<!tpu.dma_semaphore, #tpu.memory_space<semaphore_mem>>) src(%dma_wait3A_63 : memref<7808xf32, #tpu.memory_space<hbm>>) dst(%dma_wait3A_62 : memref<7808xf32, #tpu.memory_space<vmem>>)
    %dma_wait3A_64 = arith.constant 7808 : i32
    %dma_wait3A_65 = tpu.memref_slice %arg6[%dma_wait3A_64] : memref<15616xi32, #tpu.memory_space<vmem>> -> memref<7808xi32, #tpu.memory_space<vmem>>
    %dma_wait3A_66 = tpu.memref_slice %arg3[%add3A_23] : memref<500000xi32, #tpu.memory_space<hbm>> -> memref<7808xi32, #tpu.memory_space<hbm>>
    %dma_wait3A_67 = arith.constant 7808 : i32
    %dma_wait3A_68 = tpu.memref_slice %arg6[%dma_wait3A_67] : memref<15616xi32, #tpu.memory_space<vmem>> -> memref<7808xi32, #tpu.memory_space<vmem>>
    %dma_wait3A_69 = tpu.memref_slice %arg3[%add3A_23] : memref<500000xi32, #tpu.memory_space<hbm>> -> memref<7808xi32, #tpu.memory_space<hbm>>
    tpu.wait_dma2 semaphore(%arg11 : memref<!tpu.dma_semaphore, #tpu.memory_space<semaphore_mem>>) src(%dma_wait3A_69 : memref<7808xi32, #tpu.memory_space<hbm>>) dst(%dma_wait3A_68 : memref<7808xi32, #tpu.memory_space<vmem>>)
    %parallel_loop3A_70 = arith.constant 244 : i32
    %parallel_loop3A_71 = arith.constant 488 : i32
    %parallel_loop3A_72 = arith.constant 1 : i32
    scf.for %parallel_loop3A_76 = %parallel_loop3A_70 to %parallel_loop3A_71 step %parallel_loop3A_72  : i32 {
      %parallel_loop3A_77 = arith.constant 32 : i32
      %parallel_loop3A_78 = arith.muli %parallel_loop3A_76, %parallel_loop3A_77 : i32
      %parallel_loop3A_79 = arith.constant 0 : i32
      %parallel_loop3A_80 = arith.addi %parallel_loop3A_78, %parallel_loop3A_79 : i32
      %parallel_loop3A_81 = arith.index_cast %parallel_loop3A_80 : i32 to index
      %parallel_loop3A_82 = tpu.vector_load %arg5[%parallel_loop3A_81] {strides = array<i32>} : memref<15616xf32, #tpu.memory_space<vmem>>, vector<16xf32>,
      %parallel_loop3A_83 = arith.constant 0 : i32
      %parallel_loop3A_84 = arith.addi %parallel_loop3A_78, %parallel_loop3A_83 : i32
      %parallel_loop3A_85 = arith.index_cast %parallel_loop3A_84 : i32 to index
      %parallel_loop3A_86 = tpu.vector_load %arg6[%parallel_loop3A_85] {strides = array<i32>} : memref<15616xi32, #tpu.memory_space<vmem>>, vector<16xi32>,
      %parallel_loop3A_87 = arith.constant 0.000000e+00 : f32
      %parallel_loop3A_88 = vector.broadcast %parallel_loop3A_87 : f32 to vector<16xf32>
      %parallel_loop3A_89 = arith.subf %parallel_loop3A_88, %parallel_loop3A_82 : vector<16xf32>
      %parallel_loop3A_90 = math.exp %parallel_loop3A_89 : vector<16xf32>
      %parallel_loop3A_91 = arith.constant 1.000000e+00 : f32
      %parallel_loop3A_92 = vector.broadcast %parallel_loop3A_91 : f32 to vector<16xf32>
      %parallel_loop3A_93 = arith.addf %parallel_loop3A_92, %parallel_loop3A_90 : vector<16xf32>
      %parallel_loop3A_94 = arith.constant 1.000000e+00 : f32
      %parallel_loop3A_95 = vector.broadcast %parallel_loop3A_94 : f32 to vector<16xf32>
      %parallel_loop3A_96 = arith.divf %parallel_loop3A_95, %parallel_loop3A_93 : vector<16xf32>
      %parallel_loop3A_97 = arith.constant 6.400000e+01 : f32
      %parallel_loop3A_98 = vector.broadcast %parallel_loop3A_97 : f32 to vector<16xf32>
      %parallel_loop3A_99 = arith.mulf %parallel_loop3A_96, %parallel_loop3A_98 : vector<16xf32>
      %parallel_loop3A_100 = arith.constant 6.400000e-05 : f32
      %parallel_loop3A_101 = vector.broadcast %parallel_loop3A_100 : f32 to vector<16xf32>
      %parallel_loop3A_102 = arith.subf %parallel_loop3A_99, %parallel_loop3A_101 : vector<16xf32>
      %parallel_loop3A_103 = arith.constant 0.000000e+00 : f32
      %parallel_loop3A_104 = vector.broadcast %parallel_loop3A_103 : f32 to vector<16xf32>
      %parallel_loop3A_105 = arith.maximumf %parallel_loop3A_102, %parallel_loop3A_104 : vector<16xf32>
      %parallel_loop3A_106 = arith.fptosi %parallel_loop3A_105 : vector<16xf32> to vector<16xi32>
      %parallel_loop3A_107 = arith.sitofp %parallel_loop3A_106 : vector<16xi32> to vector<16xf32>
      %parallel_loop3A_108 = arith.subf %parallel_loop3A_105, %parallel_loop3A_107 : vector<16xf32>
      %parallel_loop3A_109 = arith.constant 72 : i32
      %parallel_loop3A_110 = vector.broadcast %parallel_loop3A_109 : i32 to vector<16xi32>
      %parallel_loop3A_111 = arith.muli %parallel_loop3A_86, %parallel_loop3A_110 : vector<16xi32>
      %parallel_loop3A_112 = arith.addi %mul3A_44, %parallel_loop3A_111 : vector<16xi32>
      %parallel_loop3A_113 = arith.addi %parallel_loop3A_112, %parallel_loop3A_106 : vector<16xi32>
      %parallel_loop3A_114 = arith.constant 16 : i32
      %parallel_loop3A_115 = arith.addi %parallel_loop3A_78, %parallel_loop3A_114 : i32
      %parallel_loop3A_116 = arith.index_cast %parallel_loop3A_115 : i32 to index
      %parallel_loop3A_117 = tpu.vector_load %arg5[%parallel_loop3A_116] {strides = array<i32>} : memref<15616xf32, #tpu.memory_space<vmem>>, vector<16xf32>,
      %parallel_loop3A_118 = arith.constant 16 : i32
      %parallel_loop3A_119 = arith.addi %parallel_loop3A_78, %parallel_loop3A_118 : i32
      %parallel_loop3A_120 = arith.index_cast %parallel_loop3A_119 : i32 to index
      %parallel_loop3A_121 = tpu.vector_load %arg6[%parallel_loop3A_120] {strides = array<i32>} : memref<15616xi32, #tpu.memory_space<vmem>>, vector<16xi32>,
      %parallel_loop3A_122 = arith.constant 0.000000e+00 : f32
      %parallel_loop3A_123 = vector.broadcast %parallel_loop3A_122 : f32 to vector<16xf32>
      %parallel_loop3A_124 = arith.subf %parallel_loop3A_123, %parallel_loop3A_117 : vector<16xf32>
      %parallel_loop3A_125 = math.exp %parallel_loop3A_124 : vector<16xf32>
      %parallel_loop3A_126 = arith.constant 1.000000e+00 : f32
      %parallel_loop3A_127 = vector.broadcast %parallel_loop3A_126 : f32 to vector<16xf32>
      %parallel_loop3A_128 = arith.addf %parallel_loop3A_127, %parallel_loop3A_125 : vector<16xf32>
      %parallel_loop3A_129 = arith.constant 1.000000e+00 : f32
      %parallel_loop3A_130 = vector.broadcast %parallel_loop3A_129 : f32 to vector<16xf32>
      %parallel_loop3A_131 = arith.divf %parallel_loop3A_130, %parallel_loop3A_128 : vector<16xf32>
      %parallel_loop3A_132 = arith.constant 6.400000e+01 : f32
      %parallel_loop3A_133 = vector.broadcast %parallel_loop3A_132 : f32 to vector<16xf32>
      %parallel_loop3A_134 = arith.mulf %parallel_loop3A_131, %parallel_loop3A_133 : vector<16xf32>
      %parallel_loop3A_135 = arith.constant 6.400000e-05 : f32
      %parallel_loop3A_136 = vector.broadcast %parallel_loop3A_135 : f32 to vector<16xf32>
      %parallel_loop3A_137 = arith.subf %parallel_loop3A_134, %parallel_loop3A_136 : vector<16xf32>
      %parallel_loop3A_138 = arith.constant 0.000000e+00 : f32
      %parallel_loop3A_139 = vector.broadcast %parallel_loop3A_138 : f32 to vector<16xf32>
      %parallel_loop3A_140 = arith.maximumf %parallel_loop3A_137, %parallel_loop3A_139 : vector<16xf32>
      %parallel_loop3A_141 = arith.fptosi %parallel_loop3A_140 : vector<16xf32> to vector<16xi32>
      %parallel_loop3A_142 = arith.sitofp %parallel_loop3A_141 : vector<16xi32> to vector<16xf32>
      %parallel_loop3A_143 = arith.subf %parallel_loop3A_140, %parallel_loop3A_142 : vector<16xf32>
      %parallel_loop3A_144 = arith.constant 72 : i32
      %parallel_loop3A_145 = vector.broadcast %parallel_loop3A_144 : i32 to vector<16xi32>
      %parallel_loop3A_146 = arith.muli %parallel_loop3A_121, %parallel_loop3A_145 : vector<16xi32>
      %parallel_loop3A_147 = arith.addi %mul3A_44, %parallel_loop3A_146 : vector<16xi32>
      %parallel_loop3A_148 = arith.addi %parallel_loop3A_147, %parallel_loop3A_141 : vector<16xi32>
      %parallel_loop3A_149 = arith.constant 1.000000e+00 : f32
      %parallel_loop3A_150 = vector.broadcast %parallel_loop3A_149 : f32 to vector<16xf32>
      %parallel_loop3A_151 = arith.subf %parallel_loop3A_150, %parallel_loop3A_108 : vector<16xf32>
      tpu.vector_store_idx %arg9[%parallel_loop3A_113], %parallel_loop3A_151 {add = true} : memref<2304xf32, #tpu.memory_space<vmem>>[vector<16xi32>], vector<16xf32>,
      %parallel_loop3A_152 = arith.constant 1 : i32
      %parallel_loop3A_153 = vector.broadcast %parallel_loop3A_152 : i32 to vector<16xi32>
      %parallel_loop3A_154 = arith.addi %parallel_loop3A_113, %parallel_loop3A_153 : vector<16xi32>
      tpu.vector_store_idx %arg9[%parallel_loop3A_154], %parallel_loop3A_108 {add = true} : memref<2304xf32, #tpu.memory_space<vmem>>[vector<16xi32>], vector<16xf32>,
      %parallel_loop3A_155 = arith.constant 1.000000e+00 : f32
      %parallel_loop3A_156 = vector.broadcast %parallel_loop3A_155 : f32 to vector<16xf32>
      %parallel_loop3A_157 = arith.subf %parallel_loop3A_156, %parallel_loop3A_143 : vector<16xf32>
      tpu.vector_store_idx %arg9[%parallel_loop3A_148], %parallel_loop3A_157 {add = true} : memref<2304xf32, #tpu.memory_space<vmem>>[vector<16xi32>], vector<16xf32>,
      %parallel_loop3A_158 = arith.constant 1 : i32
      %parallel_loop3A_159 = vector.broadcast %parallel_loop3A_158 : i32 to vector<16xi32>
      %parallel_loop3A_160 = arith.addi %parallel_loop3A_148, %parallel_loop3A_159 : vector<16xi32>
      tpu.vector_store_idx %arg9[%parallel_loop3A_160], %parallel_loop3A_143 {add = true} : memref<2304xf32, #tpu.memory_space<vmem>>[vector<16xi32>], vector<16xf32>,
    } {sc.loop_unroll_factor = 1 : i64, sc.parallel_access}
    %convert_element_type3A_73 = arith.extui %lt3A_30 : i1 to i32
    %cond3A_74 = arith.constant 0 : i32
    %cond3A_75 = arith.cmpi ne, %convert_element_type3A_73, %cond3A_74 : i32
    scf.if %cond3A_75 {
      %dma_wait3A_76 = tpu.memref_slice %arg2[%add3A_34] : memref<500000xf32, #tpu.memory_space<hbm>> -> memref<16xf32, #tpu.memory_space<hbm>>
      %dma_wait3A_77 = tpu.memref_slice %arg2[%add3A_34] : memref<500000xf32, #tpu.memory_space<hbm>> -> memref<16xf32, #tpu.memory_space<hbm>>
      tpu.wait_dma2 semaphore(%arg12 : memref<!tpu.dma_semaphore, #tpu.memory_space<semaphore_mem>>) src(%dma_wait3A_77 : memref<16xf32, #tpu.memory_space<hbm>>) dst(%arg7 : memref<16xf32, #tpu.memory_space<vmem>>)
      %dma_wait3A_78 = tpu.memref_slice %arg3[%add3A_34] : memref<500000xi32, #tpu.memory_space<hbm>> -> memref<16xi32, #tpu.memory_space<hbm>>
      %dma_wait3A_79 = tpu.memref_slice %arg3[%add3A_34] : memref<500000xi32, #tpu.memory_space<hbm>> -> memref<16xi32, #tpu.memory_space<hbm>>
      tpu.wait_dma2 semaphore(%arg12 : memref<!tpu.dma_semaphore, #tpu.memory_space<semaphore_mem>>) src(%dma_wait3A_79 : memref<16xi32, #tpu.memory_space<hbm>>) dst(%arg8 : memref<16xi32, #tpu.memory_space<vmem>>)
      %get3A = arith.constant 0 : index
      %get3A_80 = tpu.vector_load %arg7[%get3A] {strides = array<i32>} : memref<16xf32, #tpu.memory_space<vmem>>, vector<16xf32>,
      %get3A_81 = arith.constant 0 : index
      %get3A_82 = tpu.vector_load %arg8[%get3A_81] {strides = array<i32>} : memref<16xi32, #tpu.memory_space<vmem>>, vector<16xi32>,
      %neg3A = arith.constant 0.000000e+00 : f32
      %neg3A_83 = vector.broadcast %neg3A : f32 to vector<16xf32>
      %neg3A_84 = arith.subf %neg3A_83, %get3A_80 : vector<16xf32>
      %exp3A = math.exp %neg3A_84 : vector<16xf32>
      %add3A_85 = arith.constant 1.000000e+00 : f32
      %add3A_86 = vector.broadcast %add3A_85 : f32 to vector<16xf32>
      %add3A_87 = arith.addf %add3A_86, %exp3A : vector<16xf32>
      %div3A = arith.constant 1.000000e+00 : f32
      %div3A_88 = vector.broadcast %div3A : f32 to vector<16xf32>
      %div3A_89 = arith.divf %div3A_88, %add3A_87 : vector<16xf32>
      %mul3A_90 = arith.constant 6.400000e+01 : f32
      %mul3A_91 = vector.broadcast %mul3A_90 : f32 to vector<16xf32>
      %mul3A_92 = arith.mulf %div3A_89, %mul3A_91 : vector<16xf32>
      %sub3A = arith.constant 6.400000e-05 : f32
      %sub3A_93 = vector.broadcast %sub3A : f32 to vector<16xf32>
      %sub3A_94 = arith.subf %mul3A_92, %sub3A_93 : vector<16xf32>
      %max3A = arith.constant 0.000000e+00 : f32
      %max3A_95 = vector.broadcast %max3A : f32 to vector<16xf32>
      %max3A_96 = arith.maximumf %sub3A_94, %max3A_95 : vector<16xf32>
      %convert_element_type3A_97 = arith.fptosi %max3A_96 : vector<16xf32> to vector<16xi32>
      %convert_element_type3A_98 = arith.sitofp %convert_element_type3A_97 : vector<16xi32> to vector<16xf32>
      %sub3A_99 = arith.subf %max3A_96, %convert_element_type3A_98 : vector<16xf32>
      %mul3A_100 = arith.constant 72 : i32
      %mul3A_101 = vector.broadcast %mul3A_100 : i32 to vector<16xi32>
      %mul3A_102 = arith.muli %get3A_82, %mul3A_101 : vector<16xi32>
      %add3A_103 = arith.addi %mul3A_44, %mul3A_102 : vector<16xi32>
      %add3A_104 = arith.addi %add3A_103, %convert_element_type3A_97 : vector<16xi32>
      %sub3A_105 = arith.constant 1.000000e+00 : f32
      %sub3A_106 = vector.broadcast %sub3A_105 : f32 to vector<16xf32>
      %sub3A_107 = arith.subf %sub3A_106, %sub3A_99 : vector<16xf32>
      tpu.vector_store_idx %arg9[%add3A_104], %sub3A_107 {add = true} : memref<2304xf32, #tpu.memory_space<vmem>>[vector<16xi32>], vector<16xf32>,
      %add3A_108 = arith.constant 1 : i32
      %add3A_109 = vector.broadcast %add3A_108 : i32 to vector<16xi32>
      %add3A_110 = arith.addi %add3A_104, %add3A_109 : vector<16xi32>
      tpu.vector_store_idx %arg9[%add3A_110], %sub3A_99 {add = true} : memref<2304xf32, #tpu.memory_space<vmem>>[vector<16xi32>], vector<16xf32>,
    } else {
    }
    "tpu.region"() ({
      %run_scoped3A = tpu.sem_alloc : memref<!tpu.dma_semaphore, #tpu.memory_space<semaphore_mem>>
      %dma_start3A_76 = arith.constant 0 : i32
      %dma_start3A_77 = tpu.memref_slice %arg4[%add3A, %dma_start3A_76] : memref<32x2304xf32, #tpu.memory_space<hbm>> -> memref<1x2304xf32, #tpu.memory_space<hbm>>
      %dma_start3A_78 = tpu.memref_squeeze %dma_start3A_77 : memref<1x2304xf32, #tpu.memory_space<hbm>> -> memref<2304xf32, #tpu.memory_space<hbm>>
      %dma_start3A_79 = arith.constant 0 : i32
      %dma_start3A_80 = tpu.memref_slice %arg4[%add3A, %dma_start3A_79] : memref<32x2304xf32, #tpu.memory_space<hbm>> -> memref<1x2304xf32, #tpu.memory_space<hbm>>
      %dma_start3A_81 = tpu.memref_squeeze %dma_start3A_80 : memref<1x2304xf32, #tpu.memory_space<hbm>> -> memref<2304xf32, #tpu.memory_space<hbm>>
      tpu.enqueue_dma source(%arg9 : memref<2304xf32, #tpu.memory_space<vmem>>) target(%dma_start3A_81 : memref<2304xf32, #tpu.memory_space<hbm>>) target_semaphore(%run_scoped3A : memref<!tpu.dma_semaphore, #tpu.memory_space<semaphore_mem>>)
      %dma_wait3A_82 = arith.constant 0 : i32
      %dma_wait3A_83 = tpu.memref_slice %arg4[%add3A, %dma_wait3A_82] : memref<32x2304xf32, #tpu.memory_space<hbm>> -> memref<1x2304xf32, #tpu.memory_space<hbm>>
      %dma_wait3A_84 = tpu.memref_squeeze %dma_wait3A_83 : memref<1x2304xf32, #tpu.memory_space<hbm>> -> memref<2304xf32, #tpu.memory_space<hbm>>
      %dma_wait3A_85 = arith.constant 0 : i32
      %dma_wait3A_86 = tpu.memref_slice %arg4[%add3A, %dma_wait3A_85] : memref<32x2304xf32, #tpu.memory_space<hbm>> -> memref<1x2304xf32, #tpu.memory_space<hbm>>
      %dma_wait3A_87 = tpu.memref_squeeze %dma_wait3A_86 : memref<1x2304xf32, #tpu.memory_space<hbm>> -> memref<2304xf32, #tpu.memory_space<hbm>>
      tpu.wait_dma2 semaphore(%run_scoped3A : memref<!tpu.dma_semaphore, #tpu.memory_space<semaphore_mem>>) src(%arg9 : memref<2304xf32, #tpu.memory_space<vmem>>) dst(%dma_wait3A_87 : memref<2304xf32, #tpu.memory_space<hbm>>)
      tpu.yield
    }) : () -> ()
    return
  }
}

module attributes {stable_mosaic.version = 14 : i64} {
  func.func @_emd_body(%arg0: memref<32x2304xf32, #tpu.memory_space<vmem>>, %arg1: memref<1x1xf32, #tpu.memory_space<vmem>>) attributes {dimension_semantics = [], scalar_prefetch = 0 : i64, scratch_operands = 0 : i64, tpu.core_type = #tpu.core_type<tc>} {
    %get3A = arith.constant 0 : index
    %get3A_0 = arith.constant 0 : index
    %get3A_1 = vector.load %arg0[%get3A, %get3A_0] : memref<32x2304xf32, #tpu.memory_space<vmem>>, vector<32x2304xf32>
    %reduce_sum3A = arith.constant dense<0.000000e+00> : vector<2304xf32>
    %reduce_sum3A_2 = vector.multi_reduction <add>, %get3A_1, %reduce_sum3A [0] : vector<32x2304xf32> to vector<2304xf32>
    %broadcast_in_dim3A = vector.shape_cast %reduce_sum3A_2 : vector<2304xf32> to vector<1x2304xf32>
    %slice3A = vector.extract_strided_slice %broadcast_in_dim3A {offsets = [0, 0], sizes = [1, 144], strides = [1, 1]} : vector<1x2304xf32> to vector<1x144xf32>
    %slice3A_3 = vector.extract_strided_slice %broadcast_in_dim3A {offsets = [0, 144], sizes = [1, 144], strides = [1, 1]} : vector<1x2304xf32> to vector<1x144xf32>
    %add3A = arith.addf %slice3A, %slice3A_3 : vector<1x144xf32>
    %slice3A_4 = vector.extract_strided_slice %broadcast_in_dim3A {offsets = [0, 288], sizes = [1, 144], strides = [1, 1]} : vector<1x2304xf32> to vector<1x144xf32>
    %add3A_5 = arith.addf %add3A, %slice3A_4 : vector<1x144xf32>
    %slice3A_6 = vector.extract_strided_slice %broadcast_in_dim3A {offsets = [0, 432], sizes = [1, 144], strides = [1, 1]} : vector<1x2304xf32> to vector<1x144xf32>
    %add3A_7 = arith.addf %add3A_5, %slice3A_6 : vector<1x144xf32>
    %slice3A_8 = vector.extract_strided_slice %broadcast_in_dim3A {offsets = [0, 576], sizes = [1, 144], strides = [1, 1]} : vector<1x2304xf32> to vector<1x144xf32>
    %add3A_9 = arith.addf %add3A_7, %slice3A_8 : vector<1x144xf32>
    %slice3A_10 = vector.extract_strided_slice %broadcast_in_dim3A {offsets = [0, 720], sizes = [1, 144], strides = [1, 1]} : vector<1x2304xf32> to vector<1x144xf32>
    %add3A_11 = arith.addf %add3A_9, %slice3A_10 : vector<1x144xf32>
    %slice3A_12 = vector.extract_strided_slice %broadcast_in_dim3A {offsets = [0, 864], sizes = [1, 144], strides = [1, 1]} : vector<1x2304xf32> to vector<1x144xf32>
    %add3A_13 = arith.addf %add3A_11, %slice3A_12 : vector<1x144xf32>
    %slice3A_14 = vector.extract_strided_slice %broadcast_in_dim3A {offsets = [0, 1008], sizes = [1, 144], strides = [1, 1]} : vector<1x2304xf32> to vector<1x144xf32>
    %add3A_15 = arith.addf %add3A_13, %slice3A_14 : vector<1x144xf32>
    %slice3A_16 = vector.extract_strided_slice %broadcast_in_dim3A {offsets = [0, 1152], sizes = [1, 144], strides = [1, 1]} : vector<1x2304xf32> to vector<1x144xf32>
    %add3A_17 = arith.addf %add3A_15, %slice3A_16 : vector<1x144xf32>
    %slice3A_18 = vector.extract_strided_slice %broadcast_in_dim3A {offsets = [0, 1296], sizes = [1, 144], strides = [1, 1]} : vector<1x2304xf32> to vector<1x144xf32>
    %add3A_19 = arith.addf %add3A_17, %slice3A_18 : vector<1x144xf32>
    %slice3A_20 = vector.extract_strided_slice %broadcast_in_dim3A {offsets = [0, 1440], sizes = [1, 144], strides = [1, 1]} : vector<1x2304xf32> to vector<1x144xf32>
    %add3A_21 = arith.addf %add3A_19, %slice3A_20 : vector<1x144xf32>
    %slice3A_22 = vector.extract_strided_slice %broadcast_in_dim3A {offsets = [0, 1584], sizes = [1, 144], strides = [1, 1]} : vector<1x2304xf32> to vector<1x144xf32>
    %add3A_23 = arith.addf %add3A_21, %slice3A_22 : vector<1x144xf32>
    %slice3A_24 = vector.extract_strided_slice %broadcast_in_dim3A {offsets = [0, 1728], sizes = [1, 144], strides = [1, 1]} : vector<1x2304xf32> to vector<1x144xf32>
    %add3A_25 = arith.addf %add3A_23, %slice3A_24 : vector<1x144xf32>
    %slice3A_26 = vector.extract_strided_slice %broadcast_in_dim3A {offsets = [0, 1872], sizes = [1, 144], strides = [1, 1]} : vector<1x2304xf32> to vector<1x144xf32>
    %add3A_27 = arith.addf %add3A_25, %slice3A_26 : vector<1x144xf32>
    %slice3A_28 = vector.extract_strided_slice %broadcast_in_dim3A {offsets = [0, 2016], sizes = [1, 144], strides = [1, 1]} : vector<1x2304xf32> to vector<1x144xf32>
    %add3A_29 = arith.addf %add3A_27, %slice3A_28 : vector<1x144xf32>
    %slice3A_30 = vector.extract_strided_slice %broadcast_in_dim3A {offsets = [0, 2160], sizes = [1, 144], strides = [1, 1]} : vector<1x2304xf32> to vector<1x144xf32>
    %add3A_31 = arith.addf %add3A_29, %slice3A_30 : vector<1x144xf32>
    %slice3A_32 = vector.extract_strided_slice %add3A_31 {offsets = [0, 0], sizes = [1, 64], strides = [1, 1]} : vector<1x144xf32> to vector<1x64xf32>
    %slice3A_33 = vector.extract_strided_slice %add3A_31 {offsets = [0, 72], sizes = [1, 64], strides = [1, 1]} : vector<1x144xf32> to vector<1x64xf32>
    %reduce_sum3A_34 = vector.shape_cast %slice3A_32 : vector<1x64xf32> to vector<1x1x64xf32>
    %reduce_sum3A_35 = arith.constant dense<0.000000e+00> : vector<1xf32>
    %reduce_sum3A_36 = vector.multi_reduction <add>, %reduce_sum3A_34, %reduce_sum3A_35 [1, 2] : vector<1x1x64xf32> to vector<1xf32>
    %reduce_sum3A_37 = vector.shape_cast %reduce_sum3A_36 : vector<1xf32> to vector<1x1x1xf32>
    %reduce_sum3A_38 = vector.extract %reduce_sum3A_37[0, 0, 0] : f32 from vector<1x1x1xf32>
    %div3A = vector.broadcast %reduce_sum3A_38 : f32 to vector<1x64xf32>
    %div3A_39 = arith.divf %slice3A_32, %div3A : vector<1x64xf32>
    %reduce_sum3A_40 = vector.shape_cast %slice3A_33 : vector<1x64xf32> to vector<1x1x64xf32>
    %reduce_sum3A_41 = arith.constant dense<0.000000e+00> : vector<1xf32>
    %reduce_sum3A_42 = vector.multi_reduction <add>, %reduce_sum3A_40, %reduce_sum3A_41 [1, 2] : vector<1x1x64xf32> to vector<1xf32>
    %reduce_sum3A_43 = vector.shape_cast %reduce_sum3A_42 : vector<1xf32> to vector<1x1x1xf32>
    %reduce_sum3A_44 = vector.extract %reduce_sum3A_43[0, 0, 0] : f32 from vector<1x1x1xf32>
    %div3A_45 = vector.broadcast %reduce_sum3A_44 : f32 to vector<1x64xf32>
    %div3A_46 = arith.divf %slice3A_33, %div3A_45 : vector<1x64xf32>
    %sub3A = arith.subf %div3A_39, %div3A_46 : vector<1x64xf32>
    %iota3A = tpu.iota {dimensions = array<i32: 0>} : vector<64x64xi32>
    %iota3A_47 = tpu.iota {dimensions = array<i32: 1>} : vector<64x64xi32>
    %le3A = arith.cmpi sle, %iota3A_47, %iota3A : vector<64x64xi32>
    %convert_element_type3A = arith.extui %le3A : vector<64x64xi1> to vector<64x64xi32>
    %convert_element_type3A_48 = arith.sitofp %convert_element_type3A : vector<64x64xi32> to vector<64x64xf32>
    %broadcast_in_dim3A_49 = vector.shape_cast %sub3A : vector<1x64xf32> to vector<1x64xf32>
    %broadcast_in_dim3A_50 = vector.broadcast %broadcast_in_dim3A_49 : vector<1x64xf32> to vector<64x64xf32>
    %mul3A = arith.mulf %broadcast_in_dim3A_50, %convert_element_type3A_48 : vector<64x64xf32>
    %reduce_sum3A_51 = arith.constant dense<0.000000e+00> : vector<64xf32>
    %reduce_sum3A_52 = vector.multi_reduction <add>, %mul3A, %reduce_sum3A_51 [1] : vector<64x64xf32> to vector<64xf32>
    %broadcast_in_dim3A_53 = vector.shape_cast %reduce_sum3A_52 : vector<64xf32> to vector<64x1xf32>
    %iota3A_54 = tpu.iota {dimensions = array<i32: 0>} : vector<64x1xi32>
    %lt3A = arith.constant 63 : i32
    %lt3A_55 = vector.broadcast %lt3A : i32 to vector<64x1xi32>
    %lt3A_56 = arith.cmpi slt, %iota3A_54, %lt3A_55 : vector<64x1xi32>
    %convert_element_type3A_57 = arith.extui %lt3A_56 : vector<64x1xi1> to vector<64x1xi32>
    %convert_element_type3A_58 = arith.sitofp %convert_element_type3A_57 : vector<64x1xi32> to vector<64x1xf32>
    %abs3A = math.absf %broadcast_in_dim3A_53 : vector<64x1xf32>
    %mul3A_59 = arith.mulf %abs3A, %convert_element_type3A_58 : vector<64x1xf32>
    %reduce_sum3A_60 = arith.constant dense<0.000000e+00> : vector<1xf32>
    %reduce_sum3A_61 = vector.multi_reduction <add>, %mul3A_59, %reduce_sum3A_60 [0] : vector<64x1xf32> to vector<1xf32>
    %broadcast_in_dim3A_62 = vector.shape_cast %reduce_sum3A_61 : vector<1xf32> to vector<1x1xf32>
    %swap3A = arith.constant 0 : index
    %swap3A_63 = arith.constant 0 : index
    %swap3A_64 = vector.load %arg1[%swap3A, %swap3A_63] : memref<1x1xf32, #tpu.memory_space<vmem>>, vector<1x1xf32>
    tpu.vector_store %arg1[%swap3A, %swap3A_63], %broadcast_in_dim3A_62 {strides = array<i32>} : memref<1x1xf32, #tpu.memory_space<vmem>>, vector<1x1xf32>,
    return
  }
}

</mosaic_0001>

<sc_bundles>
// kernel: kernel.4.cloned.1.call-start
scs
__scs_entry_jumppad:
0x0: {  	(pc) =	sbr.rel $0x88, $3  }
0x1: {  	(tag) =	ssettag $0x0;
	lr =	simm.s32 $0x1  }
0x2: {  	[smem:$0x3F9F] =	sst lr;
	_ =	strace $0xD0000000  }
0x3: {  	_ = 	snop  }
0x4: {  	_ = 	snop  }
0x5: {  	_ = 	snop  }
0x6: {  	_ = 	snop  }
0x7: {  	_ = 	snop  }
__scs_overlays_trampoline_lowered:
0x8: {  	[smem:$0x3FAE] =	sst s0  }
0x9: {  	[smem:$0x3FAF] =	sst s1  }
0xa: {  	[smem:$0x3FB0] =	sst s2  }
0xb: {  	[smem:$0x3FB1] =	sst s3  }
0xc: {  	[smem:$0x3FB2] =	sst s4  }
0xd: {  	[smem:$0x3FB3] =	sst s5  }
0xe: {  	[smem:$0x3FB4] =	sst s6  }
0xf: {  	[smem:$0x3FB5] =	sst s7  }
0x10: {  	[smem:$0x3FB6] =	sst s8  }
0x11: {  	[smem:$0x3FB7] =	sst s9;
	s0 =	simm.s32 @!p0 $0x0  }
0x12: {  	s1 =	sld [smem:$0x3F9D];
	s0 =	simm.s32 @p0 $0x1  }
0x13: {  	[smem:$0x3FB8] =	sst s0;
	s0 =	simm.s32 @!p1 $0x0  }
0x14: {  	s2 =	sld [smem:$0x3F9C];
	s0 =	simm.s32 @p1 $0x1  }
0x15: {  	[smem:$0x3FB9] =	sst s0;
	s0 =	simm.s32 @!p2 $0x0  }
0x16: {  	s3 =	sld [smem:$0x3FDB];
	s0 =	simm.s32 @p2 $0x1  }
0x17: {  	s4 =	simm.s32 $0x1BF5;
	[smem:$0x3FBB] =	sst s0  }
0x18: {  	s0 =	sld [smem:$0x3F9E];
	_ =	swait.ge [sflag:s4], $0x0  }
0x19: {  	s7 =	sld [smem:$0x3F9F]  }
0x1a: {  	s8 =	sadd.s32 $0xFFFFE003, lr  }
0x1b: {  	s9 =	sadd.s32 $0xFFFFFEF7, lr;
	s5 =	simm.s32 $0xFFFFFFFF;
	p2 =	slt.u32 s8, $0xFFFFF086  }
0x1c: {  	p1 =	slt.u32 s9, $0xF7A;
	s5 =	simm.s32 @!p2 $0x0  }
0x1d: {  	s5 =	simm.s32 @p1 $0x1;
	p0 =	seq.s32 s7, s2  }
0x1e: {  	s7 =	smul.u32 @!p0 $0xF7A, s2;
	p2 =	seq.s32 @!p0 s5, $0x0  }
0x1f: {  	s9 =	smul.u32 $0xF7A, s1;
	s8 =	simm.s32 @!p0 $0x1BF5;
	p2 =	por !p2, p0  }
0x20: {  	[sflag:s8] =	ssyncset.s32 @!p0 $0xFFFFF086;
	s6 =	sadd.s32 @!p0 s3, s7;
	s7 =	simm.s32 @!p0 $0x108  }
0x21: {  	s3 =	sadd.s32 s3, s9;
	s6 =	sadd.s32 @!p0 $0x88, s6;
	s7 =	simm.s32 @p2 $0x1082  }
0x22: {  	[simem:s7], [sflag:s8] =	dma.local @!p0 [hbm:s6], $0xF7A  }
0x23: {  	s9 =	sor.u32 $0xD0000000, s2;
	s6 =	simm.s32 $0x108;
	_ =	swait.ge @!p0 [sflag:s8], $0x0  }
0x24: {  	s3 =	sadd.s32 $0x88, s3;
	s6 =	simm.s32 @!p1 $0x1082;
	[sflag:s4] =	ssyncset.s32 $0xFFFFF086  }
0x25: {  	[simem:s6], [sflag:s4] =	dma.local [hbm:s3], $0xF7A  }
0x26: {  	[smem:$0x3F9F] =	sst s1;
	(tag) =	ssettag s2;
	_ =	strace s9  }
0x27: {  	s1 =	sld [smem:$0x3FAF]  }
0x28: {  	s2 =	sld [smem:$0x3FB0]  }
0x29: {  	s4 =	sld [smem:$0x3FB2]  }
0x2a: {  	p0 =	seq.s32 s5, $0x0;
	s5 =	sld [smem:$0x3FB3]  }
0x2b: {  	s6 =	sld [smem:$0x3FB4]  }
0x2c: {  	s7 =	sld [smem:$0x3FB5]  }
0x2d: {  	s3 =	simm.s32 $0x108;
	s8 =	sld [smem:$0x3FB6]  }
0x2e: {  	s3 =	simm.s32 @!p0 $0x1082;
	s9 =	sld [smem:$0x3FB7]  }
0x2f: {  	lr =	sadd.s32 s0, s3;
	s0 =	sld [smem:$0x3FAE]  }
0x30: {  	s3 =	sld [smem:$0x3FB1]  }
0x31: {  	[smem:$0x3FBA] =	sst s10  }
0x32: {  	s10 =	sld [smem:$0x3FB8];
	_ =	sdelay $0x3  }
0x33: {  	p0 =	seq.s32 s10, $0x1;
	s10 =	sld [smem:$0x3FBA];
	_ =	sdelay $0x3  }
0x34: {  	[smem:$0x3FBA] =	sst s10  }
0x35: {  	s10 =	sld [smem:$0x3FB9];
	_ =	sdelay $0x3  }
0x36: {  	p1 =	seq.s32 s10, $0x1;
	s10 =	sld [smem:$0x3FBA];
	_ =	sdelay $0x3  }
0x37: {  	[smem:$0x3FBA] =	sst s10  }
0x38: {  	s10 =	sld [smem:$0x3FBB]  }
0x39: {  	_ = 	snop;
	(pc) =	sbr.ind lr, $3  }
0x3a: {  	_ = 	snop  }
0x3b: {  	_ = 	snop  }
0x3c: {  	p2 =	seq.s32 s10, $0x1;
	s10 =	sld [smem:$0x3FBA]  }
0x3d: {  	_ =	shalt  }
0x3e: {  	_ =	shalt  }
0x3f: {  	_ =	shalt  }
0x40: {  	_ =	shalt  }
0x41: {  	_ =	shalt  }
0x42: {  	_ =	shalt  }
0x43: {  	_ =	shalt  }
0x44: {  	_ =	shalt  }
0x45: {  	_ =	shalt  }
0x46: {  	_ =	shalt  }
0x47: {  	_ =	shalt  }
0x48: {  	_ =	shalt  }
0x49: {  	_ =	shalt  }
0x4a: {  	_ =	shalt  }
0x4b: {  	_ =	shalt  }
0x4c: {  	_ =	shalt  }
0x4d: {  	_ =	shalt  }
0x4e: {  	_ =	shalt  }
0x4f: {  	_ =	shalt  }
0x50: {  	_ =	shalt  }
0x51: {  	_ =	shalt  }
0x52: {  	_ =	shalt  }
0x53: {  	_ =	shalt  }
0x54: {  	_ =	shalt  }
0x55: {  	_ =	shalt  }
0x56: {  	_ =	shalt  }
0x57: {  	_ =	shalt  }
0x58: {  	_ =	shalt  }
0x59: {  	_ =	shalt  }
0x5a: {  	_ =	shalt  }
0x5b: {  	_ =	shalt  }
0x5c: {  	_ =	shalt  }
0x5d: {  	_ =	shalt  }
0x5e: {  	_ =	shalt  }
0x5f: {  	_ =	shalt  }
0x60: {  	_ =	shalt  }
0x61: {  	_ =	shalt  }
0x62: {  	_ =	shalt  }
0x63: {  	_ =	shalt  }
0x64: {  	_ =	shalt  }
0x65: {  	_ =	shalt  }
0x66: {  	_ =	shalt  }
0x67: {  	_ =	shalt  }
0x68: {  	_ =	shalt  }
0x69: {  	_ =	shalt  }
0x6a: {  	_ =	shalt  }
0x6b: {  	_ =	shalt  }
0x6c: {  	_ =	shalt  }
0x6d: {  	_ =	shalt  }
0x6e: {  	_ =	shalt  }
0x6f: {  	_ =	shalt  }
0x70: {  	_ =	shalt  }
0x71: {  	_ =	shalt  }
0x72: {  	_ =	shalt  }
0x73: {  	_ =	shalt  }
0x74: {  	_ =	shalt  }
0x75: {  	_ =	shalt  }
0x76: {  	_ =	shalt  }
0x77: {  	_ =	shalt  }
0x78: {  	_ =	shalt  }
0x79: {  	_ =	shalt  }
0x7a: {  	_ =	shalt  }
0x7b: {  	_ =	shalt  }
0x7c: {  	_ =	shalt  }
0x7d: {  	_ =	shalt  }
0x7e: {  	_ =	shalt  }
0x7f: {  	_ =	shalt  }
0x80: {  	_ =	shalt  }
0x81: {  	_ =	shalt  }
0x82: {  	_ =	shalt  }
0x83: {  	_ =	shalt  }
0x84: {  	_ =	shalt  }
0x85: {  	_ =	shalt  }
0x86: {  	_ =	shalt  }
0x87: {  	_ =	shalt  }
.Lfunc_end0:
.L_simem_size_0:
called_computation_lowered:
.L_overlay_start_0:
0x88: {  	s2 =	sld [smem:$0x3FD9]  }
0x89: {  	s3 =	sld [smem:$0x3FFE];
	_ =	sdelay $0x1  }
0x8a: {  	s1 =	srdreg.scid  }
0x8b: {  	s0 =	sand.u32 $0x1, s1  }
0x8c: {  	s17 =	sshll.u32 s0, $0xA;
	s2 =	sadd.s32 s3, s2  }
0x8d: {  	s2 =	sadd.s32 s2, s17  }
0x8e: {  	[smem:$0x3FC6] =	sst s2  }
0x8f: {  	_ = 	snop  }
0x90: {  	s2 =	sld [smem:$0x3FC9]  }
0x91: {  	s18 =	sld [smem:$0x3FC8];
	(tm) =	ssettm $0x1  }
0x92: {  	s4 =	sld [smem:$0x3FFB];
	_ =	sdelay $0x3  }
0x93: {  	_ =	strace s4  }
0x94: {  	s4 =	sld [smem:$0x3FFC];
	_ =	sdelay $0x3  }
0x95: {  	_ =	strace s4  }
0x96: {  	s4 =	sld [smem:$0x3FFD];
	_ =	sdelay $0x3  }
0x97: {  	_ =	strace s4  }
0x98: {  	_ =	strace $0x8FFFFFFF  }
0x99: {  	s19 =	sld [smem:$0x3FDB];
	_ =	sdelay $0x1  }
0x9a: {  	s5 =	simm.s32 $_scs_section_size  }
0x9b: {  	s6 =	simm.s32 $_size__tile_overlayer_lowered;
	s7 =	simm.s32 $_tile_overlayer_lowered  }
0x9c: {  	s22 =	simm.s32 $0x1BFF;
	s21 =	sshll.u32 s7, $0x1;
	s4 =	sadd.s32 s5, s19  }
0x9d: {  	s8 =	simm.s32 $0x0;
	s20 =	sshll.u32 s6, $0x1;
	s6 =	sadd.s32 s21, s4  }
0x9e: {  	[timem:s8], [sflag:s22] =	dma.local [hbm:s6], s20  }
0x9f: {  	_ =	swait.ge [sflag:s22], s20  }
0xa0: {  	s5 =	ssub.s32 $0x0, s20;
	[sflag:s22] =	ssyncset.done $0x0  }
0xa1: {  	[sflag:s22] =	ssyncadd.s32 s5;
	_ =	sdelay $0x1  }
0xa2: {  	s23 =	simm.s32 $0x1B8B  }
0xa3: {  	_ =	swait.ge [sflag:s23], $0x1  }
0xa4: {  	[sflag:s23] =	ssyncset.done $0x0  }
0xa5: {  	s25 =	simm.s32 $0x1B8E;
	s24 =	sld [smem:$0x3FFE];
	[sflag:s23] =	ssyncadd.s32 $0xFFFFFFFF  }
0xa6: {  	s26 =	simm.s32 $execute0_lowered;
	[smem:$0x3FD2] =	sst s25  }
0xa7: {  	s6 =	sshll.u32 s26, $0x1;
	_ =	strace $0x80000046;
	[dreg:$0x1] =	wrdreg $0xFFFFFFFF  }
0xa8: {  	s28 =	simm.s32 $_size_execute0_lowered;
	s4 =	sadd.s32 s4, s6;
	[dreg:$0x0] =	wrdreg $0x0  }
0xa9: {  	s6 =	sshll.u32 s28, $0x1;
	[dreg:$0x2] =	wrdreg s4  }
0xaa: {  	[dreg:$0x3] =	wrdreg s6  }
0xab: {  	[dreg:$0x4] =	wrdreg $0xC0  }
0xac: {  	_ =	task [dreg:s8], $0x5FFFF  }
0xad: {  	[dreg:$0x1] =	wrdreg $0xFFFFFFFF  }
0xae: {  	[dreg:$0x0] =	wrdreg $0x60  }
0xaf: {  	[dreg:$0x2] =	wrdreg s2  }
0xb0: {  	[dreg:$0x3] =	wrdreg s18  }
0xb1: {  	[dreg:$0x4] =	wrdreg s24  }
0xb2: {  	[dreg:$0x5] =	wrdreg $0x9  }
0xb3: {  	_ =	task.clear_ibuf [dreg:s8], $0x6FFFF;
	_ =	strace $0x90000046  }
0xb4: {  	s29 =	simm.s32 $0x9;
	_ =	strace $0x80000048  }
0xb5: {  	_ =	swait.ge [sflag:s29], $0x1  }
0xb6: {  	[sflag:s29] =	ssyncadd.s32 $0xFFFFFFFF  }
0xb7: {  	_ =	strace $0x90000048  }
0xb8: {  	_ =	sfence  }
0xb9: {  	s30 =	sld [smem:$0x0];
	_ =	sdelay $0x2  }
0xba: {  	s31 =	sshll.u32 s1, $0xD;
	s1 =	sshrl.u32 s1, $0x2  }
0xbb: {  	s3 =	sand.u32 $0x4000, s31;
	s1 =	sadd.s32 s1, s30  }
0xbc: {  	s0 =	sor.u32 s3, s0;
	s1 =	sshll.u32 s1, $0x11  }
0xbd: {  	s0 =	sor.u32 s1, s0  }
0xbe: {  	s0 =	sadd.s32 $0x8F2B, s0  }
0xbf: {  	[sflag:s0] =	ssyncadd.remote.s32 $0x1  }
0xc0: {  	_ =	sfence.sel $0xFFFF  }
0xc1: {  	[dreg:$0x0] =	wrdreg $0xFFFFFFFF;
	(pc) =	sbr.abs _section_cstart, $3  }
0xc2: {  	[dreg:$0x1] =	wrdreg $0xFFFFFFFF  }
0xc3: {  	_ =	task.clear_ibuf [dreg:s8], $0x2FFFF;
	_ =	strace $0x9FFFFFFF  }
0xc4: {  	(tm) =	ssettm $0x7FFFFFFF  }
0xc5: {  	_ =	shalt  }
tec
execute0_lowered:
.L_overlay_start_1:
0x0: {  	(tag) =	ssettag $0x1  }
0x1: {  	s7 =	rddreg [dreg:$0x0]  }
0x2: {  	s8 =	rddreg [dreg:$0x1]  }
0x3: {  	s0 =	srdreg.scid;
	s4 =	rddreg [dreg:$0x2]  }
0x4: {  	s2 =	simm.s32 $0x0;
	s13 =	simm.s32 $0x5B80;
	s14 =	simm.s32 $0x1  }
0x5: {  	s15 =	simm.s32 $0x7B00;
	s16 =	simm.s32 $0x2;
	s17 =	simm.s32 $0x80  }
0x6: {  	s18 =	simm.s32 $0x400;
	s19 =	simm.s32 $0x4;
	s20 =	simm.s32 $0x0  }
0x7: {  	s3 =	sand.u32 $0x1, s0;
	s0 =	stileid.u32;
	[smem:$0x7FF] =	sst s2  }
0x8: {  	s1 =	sshll.u32 s3, $0x4;
	s6 =	sshll.u32 s0, $0x7;
	s3 =	ssub.s32 $0x2, s3  }
0x9: {  	s11 =	sor.u32 s0, s1;
	s1 =	rddreg [dreg:$0x3];
	s6 =	sand.u32 $0x380, s6  }
0xa: {  	s29 =	sshrl.u32 s3, $0x1;
	s5 =	sshrl.u32 s11, $0x3;
	s9 =	smul.u32 $0x3D00, s11  }
0xb: {  	_ =	strace $0x80000047;
	s12 =	ssub.s32 s3, s29;
	s5 =	smul.u32 $0x4800, s5  }
0xc: {  	s31 =	sshll.u32 s11, $0x1;
	p0 =	sgt.u32 s11, $0x11;
	s9 =	sshrl.u32 s9, $0x3  }
0xd: {  	s11 =	simm.s32 $0x3D00;
	s5 =	sor.u32 s6, s5;
	s30 =	sadd.s32 $0x3D0, s9  }
0xe: {  	s3 =	sadd.s32 s7, s9;
	s5 =	sshrl.u32 s5, $0x3;
	s6 =	sadd.s32 s8, s30  }
0xf: {  	s10 =	sadd.s32 s5, s4;
	s4 =	sadd.s32 s8, s9;
	s9 =	sor.u32 $0xF400, s31  }
0x10: {  	v1 =	vlaneseq.u32;
	s5 =	sadd.s32 s7, s30;
	s7 =	sadd.s32 s7, s9;
	s8 =	sadd.s32 s8, s9  }
0x11: {  	v0 =	vimm.f32 $0.0e+00;
	v1 =	vmul.u32 $0x90, v1;
	s9 =	sadd.s32 $0x600, s10;
	s10 =	smax.u32 s12, $0x1;
	s12 =	simm.s32 $0x1E80  }
.LBB2_1:
0x12: {  	[tilespmem:s2], [sflag:$0x1] =	stream.linear.gather [hbm4b:s3+s2], $0x1E80, $0x38;
	[tilespmem:$0x8400] =	vst v63  }
0x13: {  	_ = 	snop  }
0x14: {  	[tilespmem:s11], [sflag:$0x1] =	stream.linear.gather [hbm4b:s4+s2], $0x1E80, $0x38;
	[tilespmem:$0x8400] =	vst v63  }
0x15: {  	_ = 	snop  }
0x16: {  	[tilespmem:s12], [sflag:$0x2] =	stream.linear.gather [hbm4b:s5+s2], $0x1E80, $0x38;
	[tilespmem:$0x8400] =	vst v63  }
0x17: {  	_ = 	snop  }
0x18: {  	[tilespmem:s13], [sflag:$0x2] =	stream.linear.gather [hbm4b:s6+s2], $0x1E80, $0x38;
	[tilespmem:$0x8400] =	vst v63  }
0x19: {  	s21 =	simm.s32 @!p0 $0x0;
	s22 =	simm.s32 @!p0 $0x7A00  }
0x1a: {  	[tilespmem:s22], [sflag:$0x3] =	stream.linear.gather @!p0 [hbm4b:s7+s21], $0x10, $0x38;
	[tilespmem:$0x8400] =	vst v63  }
0x1b: {  	s22 =	simm.s32 @!p0 $0x7A80  }
0x1c: {  	[tilespmem:s22], [sflag:$0x3] =	stream.linear.gather @!p0 [hbm4b:s8+s21], $0x10, $0x38;
	[tilespmem:$0x8400] =	vst v63  }
0x1d: {  	s21 =	simm.s32 $0x40;
	s22 =	simm.s32 $0x0  }
.LBB2_2:
0x1e: {  	p1 =	sne.s32 s21, $0x23C0;
	[tilespmem:s22+$0x7B00] =	vst v0;
	s22 =	smov.u32 s21;
	s21 =	sadd.s32 $0x40, s21  }
.Ltmp0:
0x1f: {  	(pc) =	sbr.rel @p1 .LBB2_2-.Ltmp0, $2  }
0x20: {  	_ =	sdelay $0x2  }
0x21: {  	s22 =	sshra.s32 s22, $0x2  }
0x22: {  	[tilespmem:s22+$0x7B00] =	vst v0  }
0x23: {  	_ =	swait.ge [sflag:s14], $0x1E80  }
0x24: {  	[sflag:s14] =	ssyncset.done $0x0  }
0x25: {  	[sflag:s14] =	ssyncadd.s32 $0xFFFFE180  }
0x26: {  	_ =	swait.ge [sflag:s14], $0x1E80  }
0x27: {  	[sflag:s14] =	ssyncset.done $0x0  }
0x28: {  	s24 =	simm.s32 $0x0;
	[sflag:s14] =	ssyncadd.s32 $0xFFFFE180  }
0x29: {  	v2 =	vld [tilespmem:s24+$0x0];
	_ =	sdelay $0x1  }
0x2a: {  	v3 =	vld [tilespmem:s24+$0x10];
	_ =	sdelay $0x2  }
0x2b: {  	v2 =	vsub.f32 $0.0e+00, v2;
	_ =	sdelay $0x1  }
0x2c: {  	v3 =	vsub.f32 $0.0e+00, v3;
	v2 =	vmul.f32 $1.442695020e+00, v2  }
0x2d: {  	s23 =	simm.s32 $0x20  }
0x2e: {  	v3 =	vmul.f32 $1.442695020e+00, v3;
	(erf) = vpow2.f32 v2;
	v2 =	vld [tilespmem:s23+$0x0];
	_ =	sdelay $0x1  }
0x2f: {  	(erf) = vpow2.f32 v3;
	_ =	sdelay $0x1  }
0x30: {  	v3 =	vld [tilespmem:s23+$0x10]  }
0x31: {  	v2 =	vsub.f32 $0.0e+00, v2;
	_ =	sdelay $0x1  }
0x32: {  	v2 =	vmul.f32 $1.442695020e+00, v2;
	_ =	sdelay $0x1  }
0x33: {  	s22 =	simm.s32 $0x40;
	v3 =	vsub.f32 $0.0e+00, v3;
	v4 =	vpop (erf)  }
0x34: {  	v5 =	vld [tilespmem:s22+$0x0];
	v4 =	vadd.f32 $1.000000000e+00, v4  }
0x35: {  	v3 =	vmul.f32 $1.442695020e+00, v3;
	(erf) = vpow2.f32 v2;
	v2 =	vpop (erf)  }
0x36: {  	v2 =	vadd.f32 $1.000000000e+00, v2;
	(erf) = vrcp.f32 v4  }
0x37: {  	(erf) = vpow2.f32 v3  }
0x38: {  	(erf) = vrcp.f32 v2  }
0x39: {  	v2 =	vsub.f32 $0.0e+00, v5  }
0x3a: {  	v3 =	vld [tilespmem:s22+$0x10]  }
0x3b: {  	v2 =	vmul.f32 $1.442695020e+00, v2;
	_ =	sdelay $0x2  }
0x3c: {  	v4 =	vpop (erf)  }
0x3d: {  	(erf) = vpow2.f32 v2;
	v3 =	vsub.f32 $0.0e+00, v3;
	v2 =	vpop (erf)  }
0x3e: {  	v6 =	vpop (erf)  }
0x3f: {  	v4 =	vadd.f32 $1.000000000e+00, v4;
	v3 =	vmul.f32 $1.442695020e+00, v3;
	v8 =	vpop (erf)  }
0x40: {  	s21 =	simm.s32 $0x60;
	v2 =	vmul.f32 $6.400000000e+01, v2;
	v8 =	vmul.f32 $6.400000000e+01, v8  }
0x41: {  	v7 =	vld [tilespmem:s21+$0x0];
	(erf) = vrcp.f32 v4  }
0x42: {  	v9 =	vld [tilespmem:s21+$0x10];
	(erf) = vpow2.f32 v3;
	v2 =	vadd.f32 $-6.399999980e-05, v2;
	v3 =	vadd.f32 $-6.399999980e-05, v8  }
0x43: {  	v5 =	vld [tilespmem:s24+$0x3D00];
	v6 =	vadd.f32 $1.000000000e+00, v6  }
0x44: {  	v4 =	vmax.f32 v2, $0.0e+00;
	v2 =	vmax.f32 v3, $0.0e+00;
	v3 =	vld [tilespmem:s24+$0x3D10]  }
0x45: {  	(erf) = vrcp.f32 v6;
	_ =	sdelay $0x1  }
0x46: {  	v9 =	vsub.f32 $0.0e+00, v9;
	v8 =	vsub.f32 $0.0e+00, v7;
	v7 =	vtrunc.f32 v4  }
0x47: {  	v5 =	vmul.u32 $0x48, v5;
	v6 =	vpop (erf);
	s24 =	simm.s32 $0x200;
	v7 =	vcvt.f32.s32 v7;
	v10 =	vtrunc.f32 v2  }
.LBB2_4:
0x48: {  	p1 =	sne.s32 s24, $0x7980;
	v8 =	vmul.f32 $1.442695020e+00, v8;
	v10 =	vcvt.f32.s32 v10;
	v3 =	vmul.u32 $0x48, v3  }
0x49: {  	v9 =	vmul.f32 $1.442695020e+00, v9;
	v11 =	vcvt.s32.f32 v7;
	v5 =	vadd.s32 v7, v5  }
0x4a: {  	(erf) = vpow2.f32 v8;
	v5 =	vadd.s32 v1, v5;
	v7 =	vcvt.s32.f32 v10  }
0x4b: {  	v10 =	vadd.s32 v10, v3;
	v8 =	vld [tilespmem:s23+$0x3D00];
	v12 =	vpop (erf);
	v4 =	vsub.f32 v4, v11;
	v11 =	vadd.s32 $0x1, v5  }
0x4c: {  	v6 =	vadd.f32 $1.000000000e+00, v6;
	v10 =	vadd.s32 v1, v10;
	v13 =	vpop (erf);
	v12 =	vmul.f32 $6.400000000e+01, v12;
	v3 =	vld [tilespmem:s23+$0x3D10];
	s23 =	smov.u32 s22;
	s22 =	smov.u32 s21;
	s21 =	sshra.s32 s24, $0x2  }
0x4d: {  	v7 =	vsub.f32 v2, v7;
	v16 =	vadd.s32 $0x1, v10;
	v14 =	vld [tilespmem:s21+$0x0];
	v15 =	vpop (erf);
	v2 =	vsub.f32 $1.000000000e+00, v4  }
0x4e: {  	v13 =	vadd.f32 $1.000000000e+00, v13;
	v17 =	vld [tilespmem:s21+$0x10];
	(erf) = vrcp.f32 v6;
	v6 =	vmul.f32 $6.400000000e+01, v15  }
.Ltmp1:
0x4f: {  	(erf) = vpow2.f32 v9;
	v9 =	vadd.f32 $-6.399999980e-05, v12;
	[tilespmem:v5+s15+$0x0] =	vst.idx.add.f32.msk $0xffff, v2;
	v2 =	vsub.f32 $1.000000000e+00, v7;
	(pc) =	sbr.rel @p1 .LBB2_4-.Ltmp1, $4  }
0x50: {  	(erf) = vrcp.f32 v13;
	v12 =	vadd.f32 $-6.399999980e-05, v6;
	[tilespmem:v11+s15+$0x0] =	vst.idx.add.f32.msk $0xffff, v4  }
0x51: {  	v5 =	vmul.u32 $0x48, v8;
	v4 =	vmax.f32 v9, $0.0e+00;
	[tilespmem:v10+s15+$0x0] =	vst.idx.add.f32.msk $0xffff, v2  }
0x52: {  	v8 =	vsub.f32 $0.0e+00, v14;
	v10 =	vtrunc.f32 v4;
	v2 =	vmax.f32 v12, $0.0e+00;
	[tilespmem:v16+s15+$0x0] =	vst.idx.add.f32.msk $0xffff, v7  }
0x53: {  	s24 =	sadd.s32 $0x80, s24;
	v9 =	vsub.f32 $0.0e+00, v17;
	v6 =	vpop (erf);
	v7 =	vcvt.f32.s32 v10;
	v10 =	vtrunc.f32 v2  }
0x54: {  	v8 =	vmul.f32 $1.442695020e+00, v8;
	v6 =	vadd.f32 $1.000000000e+00, v6;
	_ =	sdelay $0x1  }
0x55: {  	v9 =	vmul.f32 $1.442695020e+00, v9;
	(erf) = vpow2.f32 v8  }
0x56: {  	v12 =	vld [tilespmem:s23+$0x3D10];
	(erf) = vrcp.f32 v6  }
0x57: {  	v19 =	vld [tilespmem:s22+$0x3D00];
	v6 =	vpop (erf);
	(erf) = vpow2.f32 v9  }
0x58: {  	v8 =	vpop (erf)  }
0x59: {  	v8 =	vadd.f32 $1.000000000e+00, v8  }
0x5a: {  	v3 =	vmul.u32 $0x48, v3;
	v5 =	vadd.s32 v7, v5  }
0x5b: {  	v5 =	vadd.s32 v1, v5;
	v9 =	vcvt.f32.s32 v10;
	v10 =	vcvt.s32.f32 v7  }
0x5c: {  	v6 =	vmul.f32 $6.400000000e+01, v6;
	v12 =	vmul.u32 $0x48, v12;
	v19 =	vmul.u32 $0x48, v19  }
0x5d: {  	v7 =	vcvt.s32.f32 v9;
	v4 =	vsub.f32 v4, v10;
	v10 =	vld [tilespmem:s23+$0x3D00];
	(erf) = vrcp.f32 v8;
	v8 =	vpop (erf)  }
0x5e: {  	v3 =	vadd.s32 v9, v3;
	v9 =	vadd.s32 $0x1, v5;
	v6 =	vadd.f32 $-6.399999980e-05, v6;
	v11 =	vpop (erf)  }
0x5f: {  	v3 =	vadd.s32 v1, v3;
	v2 =	vsub.f32 v2, v7;
	v7 =	vsub.f32 $1.000000000e+00, v4;
	v14 =	vpop (erf)  }
0x60: {  	v13 =	vadd.s32 $0x1, v3;
	v6 =	vmax.f32 v6, $0.0e+00;
	v11 =	vadd.f32 $1.000000000e+00, v11;
	v15 =	vpop (erf)  }
0x61: {  	v17 =	vtrunc.f32 v6;
	v8 =	vmul.f32 $6.400000000e+01, v8;
	v15 =	vadd.f32 $1.000000000e+00, v15  }
0x62: {  	v51 =	vld [tilespmem:s22+$0x3D10];
	v17 =	vcvt.f32.s32 v17;
	v10 =	vmul.u32 $0x48, v10;
	(erf) = vrcp.f32 v11  }
0x63: {  	v8 =	vadd.f32 $-6.399999980e-05, v8;
	v14 =	vmul.f32 $6.400000000e+01, v14;
	(erf) = vrcp.f32 v15  }
0x64: {  	v16 =	vsub.f32 $1.000000000e+00, v2;
	v18 =	vcvt.s32.f32 v17;
	v10 =	vadd.s32 v17, v10  }
0x65: {  	v53 =	vld [tilespmem:s21+$0x3D00];
	v10 =	vadd.s32 v1, v10;
	v8 =	vmax.f32 v8, $0.0e+00;
	v14 =	vadd.f32 $-6.399999980e-05, v14  }
0x66: {  	v6 =	vsub.f32 v6, v18;
	v50 =	vadd.s32 $0x1, v10;
	v11 =	vtrunc.f32 v8  }
0x67: {  	v18 =	vmul.u32 $0x48, v51;
	v11 =	vcvt.f32.s32 v11;
	v47 =	vpop (erf);
	v14 =	vmax.f32 v14, $0.0e+00  }
0x68: {  	v20 =	vsub.f32 $1.000000000e+00, v6;
	v15 =	vmul.f32 $6.400000000e+01, v47;
	v52 =	vtrunc.f32 v14  }
0x69: {  	v48 =	vcvt.s32.f32 v11;
	v11 =	vadd.s32 v11, v12;
	v17 =	vcvt.f32.s32 v52  }
0x6a: {  	[tilespmem:v10+s15+$0x0] =	vst.idx.add.f32.msk $0xffff, v20;
	v10 =	vmul.u32 $0x48, v53;
	v49 =	vadd.f32 $-6.399999980e-05, v15;
	v11 =	vadd.s32 v1, v11  }
0x6b: {  	[tilespmem:v5+s15+$0x0] =	vst.idx.add.f32.msk $0xffff, v7;
	v8 =	vsub.f32 v8, v48;
	v22 =	vadd.s32 $0x1, v11;
	v7 =	vcvt.s32.f32 v17;
	v23 =	vpop (erf)  }
0x6c: {  	v17 =	vadd.s32 v17, v19;
	v12 =	vmax.f32 v49, $0.0e+00;
	v23 =	vmul.f32 $6.400000000e+01, v23;
	v24 =	vpop (erf)  }
0x6d: {  	[tilespmem:v9+s15+$0x0] =	vst.idx.add.f32.msk $0xffff, v4;
	v4 =	vadd.s32 v1, v17;
	v21 =	vtrunc.f32 v12;
	v24 =	vmul.f32 $6.400000000e+01, v24  }
0x6e: {  	v56 =	vld [tilespmem:s21+$0x3D10];
	v7 =	vsub.f32 v14, v7;
	v21 =	vcvt.f32.s32 v21;
	v9 =	vadd.f32 $-6.399999980e-05, v23  }
0x6f: {  	[tilespmem:v3+s15+$0x0] =	vst.idx.add.f32.msk $0xffff, v16;
	v5 =	vsub.f32 $1.000000000e+00, v8;
	v3 =	vadd.s32 $0x1, v4;
	v57 =	vadd.f32 $-6.399999980e-05, v24  }
0x70: {  	[tilespmem:v50+s15+$0x0] =	vst.idx.add.f32.msk $0xffff, v6;
	v6 =	vsub.f32 $1.000000000e+00, v7;
	v54 =	vcvt.s32.f32 v21;
	v9 =	vmax.f32 v9, $0.0e+00  }
0x71: {  	v55 =	vadd.s32 v21, v18;
	v59 =	vtrunc.f32 v9;
	v60 =	vmax.f32 v57, $0.0e+00  }
0x72: {  	[tilespmem:v13+s15+$0x0] =	vst.idx.add.f32.msk $0xffff, v2;
	v2 =	vsub.f32 v12, v54;
	v12 =	vcvt.f32.s32 v59;
	v61 =	vtrunc.f32 v60  }
0x73: {  	[tilespmem:v11+s15+$0x0] =	vst.idx.add.f32.msk $0xffff, v5;
	v5 =	vmul.u32 $0x48, v56;
	v58 =	vadd.s32 v1, v55;
	v14 =	vcvt.f32.s32 v61  }
0x74: {  	v62 =	vadd.s32 $0x1, v58;
	v10 =	vadd.s32 v12, v10;
	v11 =	vcvt.s32.f32 v12  }
0x75: {  	[tilespmem:v22+s15+$0x0] =	vst.idx.add.f32.msk $0xffff, v8;
	v8 =	vsub.f32 $1.000000000e+00, v2;
	v10 =	vadd.s32 v1, v10;
	v63 =	vcvt.s32.f32 v14  }
0x76: {  	[tilespmem:v4+s15+$0x0] =	vst.idx.add.f32.msk $0xffff, v6;
	v4 =	vsub.f32 v9, v11;
	v5 =	vadd.s32 v14, v5;
	v6 =	vadd.s32 $0x1, v10  }
0x77: {  	[tilespmem:v3+s15+$0x0] =	vst.idx.add.f32.msk $0xffff, v7;
	v3 =	vadd.s32 v1, v5  }
0x78: {  	[tilespmem:v58+s15+$0x0] =	vst.idx.add.f32.msk $0xffff, v8;
	v5 =	vsub.f32 v60, v63;
	v7 =	vsub.f32 $1.000000000e+00, v4;
	v8 =	vadd.s32 $0x1, v3  }
0x79: {  	[tilespmem:v62+s15+$0x0] =	vst.idx.add.f32.msk $0xffff, v2  }
0x7a: {  	[tilespmem:v10+s15+$0x0] =	vst.idx.add.f32.msk $0xffff, v7;
	v2 =	vsub.f32 $1.000000000e+00, v5  }
0x7b: {  	[tilespmem:v6+s15+$0x0] =	vst.idx.add.f32.msk $0xffff, v4  }
0x7c: {  	[tilespmem:v3+s15+$0x0] =	vst.idx.add.f32.msk $0xffff, v2  }
0x7d: {  	[tilespmem:v8+s15+$0x0] =	vst.idx.add.f32.msk $0xffff, v5  }
0x7e: {  	_ =	swait.ge [sflag:s16], $0x1E80  }
0x7f: {  	[sflag:s16] =	ssyncset.done $0x0  }
0x80: {  	[sflag:s16] =	ssyncadd.s32 $0xFFFFE180  }
0x81: {  	_ =	swait.ge [sflag:s16], $0x1E80  }
0x82: {  	[sflag:s16] =	ssyncset.done $0x0  }
0x83: {  	s24 =	simm.s32 $0x0;
	[sflag:s16] =	ssyncadd.s32 $0xFFFFE180  }
0x84: {  	v2 =	vld [tilespmem:s24+$0x1E80];
	_ =	sdelay $0x1  }
0x85: {  	v3 =	vld [tilespmem:s24+$0x1E90];
	_ =	sdelay $0x2  }
0x86: {  	v2 =	vsub.f32 $0.0e+00, v2;
	_ =	sdelay $0x1  }
0x87: {  	v3 =	vsub.f32 $0.0e+00, v3;
	v2 =	vmul.f32 $1.442695020e+00, v2  }
0x88: {  	s23 =	simm.s32 $0x20  }
0x89: {  	v3 =	vmul.f32 $1.442695020e+00, v3;
	(erf) = vpow2.f32 v2;
	v2 =	vld [tilespmem:s23+$0x1E80];
	_ =	sdelay $0x1  }
0x8a: {  	(erf) = vpow2.f32 v3;
	_ =	sdelay $0x1  }
0x8b: {  	v3 =	vld [tilespmem:s23+$0x1E90]  }
0x8c: {  	v2 =	vsub.f32 $0.0e+00, v2;
	_ =	sdelay $0x1  }
0x8d: {  	v2 =	vmul.f32 $1.442695020e+00, v2;
	_ =	sdelay $0x1  }
0x8e: {  	s22 =	simm.s32 $0x40;
	v3 =	vsub.f32 $0.0e+00, v3;
	v4 =	vpop (erf)  }
0x8f: {  	v5 =	vld [tilespmem:s22+$0x1E80];
	v4 =	vadd.f32 $1.000000000e+00, v4  }
0x90: {  	v3 =	vmul.f32 $1.442695020e+00, v3;
	(erf) = vpow2.f32 v2;
	v2 =	vpop (erf)  }
0x91: {  	v2 =	vadd.f32 $1.000000000e+00, v2;
	(erf) = vrcp.f32 v4  }
0x92: {  	(erf) = vpow2.f32 v3  }
0x93: {  	(erf) = vrcp.f32 v2  }
0x94: {  	v2 =	vsub.f32 $0.0e+00, v5  }
0x95: {  	v3 =	vld [tilespmem:s22+$0x1E90]  }
0x96: {  	v2 =	vmul.f32 $1.442695020e+00, v2;
	_ =	sdelay $0x2  }
0x97: {  	v4 =	vpop (erf)  }
0x98: {  	(erf) = vpow2.f32 v2;
	v3 =	vsub.f32 $0.0e+00, v3;
	v2 =	vpop (erf)  }
0x99: {  	v6 =	vpop (erf)  }
0x9a: {  	v4 =	vadd.f32 $1.000000000e+00, v4;
	v3 =	vmul.f32 $1.442695020e+00, v3;
	v8 =	vpop (erf)  }
0x9b: {  	s21 =	simm.s32 $0x60;
	v2 =	vmul.f32 $6.400000000e+01, v2;
	v8 =	vmul.f32 $6.400000000e+01, v8  }
0x9c: {  	v7 =	vld [tilespmem:s21+$0x1E80];
	(erf) = vrcp.f32 v4  }
0x9d: {  	v9 =	vld [tilespmem:s21+$0x1E90];
	(erf) = vpow2.f32 v3;
	v2 =	vadd.f32 $-6.399999980e-05, v2;
	v3 =	vadd.f32 $-6.399999980e-05, v8  }
0x9e: {  	v5 =	vld [tilespmem:s24+$0x5B80];
	v6 =	vadd.f32 $1.000000000e+00, v6  }
0x9f: {  	v4 =	vmax.f32 v2, $0.0e+00;
	v2 =	vmax.f32 v3, $0.0e+00;
	v3 =	vld [tilespmem:s24+$0x5B90]  }
0xa0: {  	(erf) = vrcp.f32 v6;
	_ =	sdelay $0x1  }
0xa1: {  	v9 =	vsub.f32 $0.0e+00, v9;
	v8 =	vsub.f32 $0.0e+00, v7;
	v7 =	vtrunc.f32 v4  }
0xa2: {  	v5 =	vmul.u32 $0x48, v5;
	v6 =	vpop (erf);
	s24 =	simm.s32 $0x200;
	v7 =	vcvt.f32.s32 v7;
	v10 =	vtrunc.f32 v2  }
.LBB2_6:
0xa3: {  	p1 =	sne.s32 s24, $0x7980;
	v8 =	vmul.f32 $1.442695020e+00, v8;
	v10 =	vcvt.f32.s32 v10;
	v3 =	vmul.u32 $0x48, v3  }
0xa4: {  	v9 =	vmul.f32 $1.442695020e+00, v9;
	v11 =	vcvt.s32.f32 v7;
	v5 =	vadd.s32 v7, v5  }
0xa5: {  	(erf) = vpow2.f32 v8;
	v5 =	vadd.s32 v1, v5;
	v7 =	vcvt.s32.f32 v10  }
0xa6: {  	v10 =	vadd.s32 v10, v3;
	v8 =	vld [tilespmem:s23+$0x5B80];
	v12 =	vpop (erf);
	v4 =	vsub.f32 v4, v11;
	v11 =	vadd.s32 $0x1, v5  }
0xa7: {  	v6 =	vadd.f32 $1.000000000e+00, v6;
	v10 =	vadd.s32 v1, v10;
	v13 =	vpop (erf);
	v12 =	vmul.f32 $6.400000000e+01, v12;
	v3 =	vld [tilespmem:s23+$0x5B90];
	s23 =	smov.u32 s22;
	s22 =	smov.u32 s21;
	s21 =	sshra.s32 s24, $0x2  }
0xa8: {  	v7 =	vsub.f32 v2, v7;
	v16 =	vadd.s32 $0x1, v10;
	v14 =	vld [tilespmem:s21+$0x1E80];
	v15 =	vpop (erf);
	v2 =	vsub.f32 $1.000000000e+00, v4  }
0xa9: {  	v13 =	vadd.f32 $1.000000000e+00, v13;
	v17 =	vld [tilespmem:s21+$0x1E90];
	(erf) = vrcp.f32 v6;
	v6 =	vmul.f32 $6.400000000e+01, v15  }
.Ltmp2:
0xaa: {  	(erf) = vpow2.f32 v9;
	v9 =	vadd.f32 $-6.399999980e-05, v12;
	[tilespmem:v5+s15+$0x0] =	vst.idx.add.f32.msk $0xffff, v2;
	v2 =	vsub.f32 $1.000000000e+00, v7;
	(pc) =	sbr.rel @p1 .LBB2_6-.Ltmp2, $4  }
0xab: {  	(erf) = vrcp.f32 v13;
	v12 =	vadd.f32 $-6.399999980e-05, v6;
	[tilespmem:v11+s15+$0x0] =	vst.idx.add.f32.msk $0xffff, v4  }
0xac: {  	v5 =	vmul.u32 $0x48, v8;
	v4 =	vmax.f32 v9, $0.0e+00;
	[tilespmem:v10+s15+$0x0] =	vst.idx.add.f32.msk $0xffff, v2  }
0xad: {  	v8 =	vsub.f32 $0.0e+00, v14;
	v10 =	vtrunc.f32 v4;
	v2 =	vmax.f32 v12, $0.0e+00;
	[tilespmem:v16+s15+$0x0] =	vst.idx.add.f32.msk $0xffff, v7  }
0xae: {  	s24 =	sadd.s32 $0x80, s24;
	v9 =	vsub.f32 $0.0e+00, v17;
	v6 =	vpop (erf);
	v7 =	vcvt.f32.s32 v10;
	v10 =	vtrunc.f32 v2  }
0xaf: {  	v8 =	vmul.f32 $1.442695020e+00, v8  }
0xb0: {  	v6 =	vadd.f32 $1.000000000e+00, v6  }
0xb1: {  	v9 =	vmul.f32 $1.442695020e+00, v9;
	(erf) = vpow2.f32 v8  }
0xb2: {  	(erf) = vrcp.f32 v6  }
0xb3: {  	v23 =	vpop (erf);
	(erf) = vpow2.f32 v9;
	_ =	sdelay $0x1  }
0xb4: {  	v25 =	vcvt.f32.s32 v10;
	v30 =	vld [tilespmem:s23+$0x5B80]  }
0xb5: {  	v3 =	vmul.u32 $0x48, v3;
	v12 =	vld [tilespmem:s23+$0x5B90];
	v26 =	vcvt.s32.f32 v7;
	v5 =	vadd.s32 v7, v5  }
0xb6: {  	v19 =	vld [tilespmem:s22+$0x5B80];
	v5 =	vadd.s32 v1, v5;
	v27 =	vcvt.s32.f32 v25;
	v24 =	vpop (erf)  }
0xb7: {  	v3 =	vadd.s32 v25, v3;
	v4 =	vsub.f32 v4, v26;
	v8 =	vadd.f32 $1.000000000e+00, v24  }
0xb8: {  	v41 =	vld [tilespmem:s21+$0x5B80];
	v29 =	vadd.s32 $0x1, v5;
	v3 =	vadd.s32 v1, v3;
	v6 =	vmul.f32 $6.400000000e+01, v23;
	v28 =	vpop (erf)  }
0xb9: {  	v2 =	vsub.f32 v2, v27;
	v13 =	vadd.s32 $0x1, v3;
	(erf) = vrcp.f32 v8;
	v11 =	vpop (erf)  }
0xba: {  	v46 =	vld [tilespmem:s21+$0x5B90];
	v31 =	vsub.f32 $1.000000000e+00, v4;
	v10 =	vmul.u32 $0x48, v30;
	v6 =	vadd.f32 $-6.399999980e-05, v6;
	v14 =	vpop (erf)  }
0xbb: {  	v12 =	vmul.u32 $0x48, v12;
	v19 =	vmul.u32 $0x48, v19;
	v11 =	vadd.f32 $1.000000000e+00, v11;
	v15 =	vpop (erf)  }
0xbc: {  	v8 =	vmul.f32 $6.400000000e+01, v28;
	v6 =	vmax.f32 v6, $0.0e+00;
	v15 =	vadd.f32 $1.000000000e+00, v15  }
0xbd: {  	v51 =	vmul.u32 $0x48, v41;
	v17 =	vtrunc.f32 v6;
	(erf) = vrcp.f32 v11  }
0xbe: {  	v37 =	vld [tilespmem:s22+$0x5B90];
	v8 =	vadd.f32 $-6.399999980e-05, v8;
	v17 =	vcvt.f32.s32 v17;
	(erf) = vrcp.f32 v15  }
0xbf: {  	v55 =	vmul.u32 $0x48, v46;
	v16 =	vsub.f32 $1.000000000e+00, v2;
	v14 =	vmul.f32 $6.400000000e+01, v14  }
0xc0: {  	v8 =	vmax.f32 v8, $0.0e+00;
	v18 =	vcvt.s32.f32 v17;
	v10 =	vadd.s32 v17, v10  }
0xc1: {  	v32 =	vtrunc.f32 v8;
	v10 =	vadd.s32 v1, v10;
	v14 =	vadd.f32 $-6.399999980e-05, v14  }
0xc2: {  	v11 =	vcvt.f32.s32 v32;
	v6 =	vsub.f32 v6, v18;
	v36 =	vadd.s32 $0x1, v10;
	v33 =	vpop (erf)  }
0xc3: {  	v18 =	vmul.u32 $0x48, v37;
	v15 =	vmul.f32 $6.400000000e+01, v33;
	v14 =	vmax.f32 v14, $0.0e+00  }
0xc4: {  	v34 =	vcvt.s32.f32 v11;
	v11 =	vadd.s32 v11, v12;
	v38 =	vtrunc.f32 v14  }
0xc5: {  	v11 =	vadd.s32 v1, v11;
	v35 =	vadd.f32 $-6.399999980e-05, v15;
	v17 =	vcvt.f32.s32 v38  }
0xc6: {  	v20 =	vsub.f32 $1.000000000e+00, v6;
	v8 =	vsub.f32 v8, v34;
	v22 =	vadd.s32 $0x1, v11;
	v23 =	vpop (erf)  }
0xc7: {  	v12 =	vmax.f32 v35, $0.0e+00;
	v40 =	vcvt.s32.f32 v17;
	v23 =	vmul.f32 $6.400000000e+01, v23;
	v24 =	vpop (erf)  }
0xc8: {  	v39 =	vsub.f32 $1.000000000e+00, v8;
	v21 =	vtrunc.f32 v12;
	v24 =	vmul.f32 $6.400000000e+01, v24  }
0xc9: {  	[tilespmem:v5+s15+$0x0] =	vst.idx.add.f32.msk $0xffff, v31;
	v17 =	vadd.s32 v17, v19;
	v21 =	vcvt.f32.s32 v21;
	v43 =	vadd.f32 $-6.399999980e-05, v23  }
0xca: {  	[tilespmem:v29+s15+$0x0] =	vst.idx.add.f32.msk $0xffff, v4;
	v42 =	vadd.s32 v1, v17;
	v7 =	vsub.f32 v14, v40;
	v47 =	vadd.f32 $-6.399999980e-05, v24  }
0xcb: {  	[tilespmem:v3+s15+$0x0] =	vst.idx.add.f32.msk $0xffff, v16;
	v3 =	vadd.s32 $0x1, v42;
	v44 =	vcvt.s32.f32 v21;
	v9 =	vmax.f32 v43, $0.0e+00  }
0xcc: {  	[tilespmem:v13+s15+$0x0] =	vst.idx.add.f32.msk $0xffff, v2;
	v45 =	vadd.s32 v21, v18;
	v49 =	vtrunc.f32 v9;
	v50 =	vmax.f32 v47, $0.0e+00  }
0xcd: {  	[tilespmem:v10+s15+$0x0] =	vst.idx.add.f32.msk $0xffff, v20;
	v2 =	vsub.f32 v12, v44;
	v12 =	vcvt.f32.s32 v49;
	v52 =	vtrunc.f32 v50  }
0xce: {  	[tilespmem:v36+s15+$0x0] =	vst.idx.add.f32.msk $0xffff, v6;
	v53 =	vsub.f32 $1.000000000e+00, v7;
	v48 =	vadd.s32 v1, v45;
	v14 =	vcvt.f32.s32 v52  }
0xcf: {  	[tilespmem:v11+s15+$0x0] =	vst.idx.add.f32.msk $0xffff, v39;
	v54 =	vadd.s32 $0x1, v48;
	v10 =	vadd.s32 v12, v51;
	v56 =	vcvt.s32.f32 v12  }
0xd0: {  	[tilespmem:v22+s15+$0x0] =	vst.idx.add.f32.msk $0xffff, v8;
	v57 =	vsub.f32 $1.000000000e+00, v2;
	v10 =	vadd.s32 v1, v10;
	v58 =	vcvt.s32.f32 v14  }
0xd1: {  	[tilespmem:v42+s15+$0x0] =	vst.idx.add.f32.msk $0xffff, v53;
	v59 =	vsub.f32 v9, v56;
	v5 =	vadd.s32 v14, v55;
	v60 =	vadd.s32 $0x1, v10  }
0xd2: {  	[tilespmem:v3+s15+$0x0] =	vst.idx.add.f32.msk $0xffff, v7;
	v3 =	vadd.s32 v1, v5  }
0xd3: {  	[tilespmem:v48+s15+$0x0] =	vst.idx.add.f32.msk $0xffff, v57;
	v61 =	vsub.f32 v50, v58;
	v62 =	vsub.f32 $1.000000000e+00, v59;
	v63 =	vadd.s32 $0x1, v3  }
0xd4: {  	[tilespmem:v54+s15+$0x0] =	vst.idx.add.f32.msk $0xffff, v2  }
0xd5: {  	[tilespmem:v10+s15+$0x0] =	vst.idx.add.f32.msk $0xffff, v62;
	v2 =	vsub.f32 $1.000000000e+00, v61  }
0xd6: {  	[tilespmem:v60+s15+$0x0] =	vst.idx.add.f32.msk $0xffff, v59  }
0xd7: {  	[tilespmem:v3+s15+$0x0] =	vst.idx.add.f32.msk $0xffff, v2  }
0xd8: {  	s21 =	simm.s32 @!p0 $0x3;
	[tilespmem:v63+s15+$0x0] =	vst.idx.add.f32.msk $0xffff, v61  }
0xd9: {  	_ =	swait.ge @!p0 [sflag:s21], $0x10  }
0xda: {  	[sflag:s21] =	ssyncset.done @!p0 $0x0  }
0xdb: {  	[sflag:s21] =	ssyncadd.s32 @!p0 $0xFFFFFFF0  }
0xdc: {  	_ =	swait.ge @!p0 [sflag:s21], $0x10  }
0xdd: {  	[sflag:s21] =	ssyncset.done @!p0 $0x0  }
0xde: {  	[sflag:s21] =	ssyncadd.s32 @!p0 $0xFFFFFFF0  }
0xdf: {  	v2 =	vld @!p0 [tilespmem:$0x7A00];
	_ =	sdelay $0x4  }
0xe0: {  	v2 =	vsub.f32 @!p0 $0.0e+00, v2;
	_ =	sdelay $0x1  }
0xe1: {  	v2 =	vmul.f32 @!p0 $1.442695020e+00, v2;
	_ =	sdelay $0x1  }
0xe2: {  	(erf) = vpow2.f32 @!p0 v2;
	_ =	sdelay $0x8  }
0xe3: {  	v2 =	vpop @!p0 (erf)  }
0xe4: {  	v2 =	vadd.f32 @!p0 $1.000000000e+00, v2;
	_ =	sdelay $0x1  }
0xe5: {  	(erf) = vrcp.f32 @!p0 v2;
	_ =	sdelay $0x8  }
0xe6: {  	v2 =	vpop @!p0 (erf)  }
0xe7: {  	v2 =	vmul.f32 @!p0 $6.400000000e+01, v2  }
0xe8: {  	v3 =	vld @!p0 [tilespmem:$0x7A80]  }
0xe9: {  	v2 =	vadd.f32 @!p0 $-6.399999980e-05, v2;
	_ =	sdelay $0x1  }
0xea: {  	v2 =	vmax.f32 @!p0 v2, $0.0e+00  }
0xeb: {  	v4 =	vtrunc.f32 @!p0 v2  }
0xec: {  	v5 =	vlaneseq.u32 @!p0;
	v3 =	vmul.u32 @!p0 $0x48, v3;
	v4 =	vcvt.f32.s32 @!p0 v4  }
0xed: {  	v5 =	vmul.u32 @!p0 $0x90, v5  }
0xee: {  	v6 =	vcvt.s32.f32 @!p0 v4;
	v3 =	vadd.s32 @!p0 v4, v3  }
0xef: {  	v3 =	vadd.s32 @!p0 v5, v3  }
0xf0: {  	v2 =	vsub.f32 @!p0 v2, v6;
	v4 =	vadd.s32 @!p0 $0x1, v3;
	_ =	sdelay $0x1  }
0xf1: {  	v5 =	vsub.f32 @!p0 $1.000000000e+00, v2  }
0xf2: {  	s20 =	sadd.s32 $0x1, s20;
	s21 =	simm.s32 @!p0 $0x7B00  }
0xf3: {  	p1 =	sne.s32 s20, s10;
	[tilespmem:v3+s21+$0x0] =	vst.idx.add.f32.msk @!p0 $0xffff, v5  }
.Ltmp3:
0xf4: {  	[tilespmem:v4+s21+$0x0] =	vst.idx.add.f32.msk @!p0 $0xffff, v2;
	(pc) =	sbr.rel @p1 .LBB2_1-.Ltmp3, $4  }
0xf5: {  	[hbm4b:s9+s17] =	stream.strided.scatter [tilespmem:s15], [sflag:$0x4], $0x900, s18, s17, $0x38;
	[tilespmem:$0x8400] =	vst v63  }
0xf6: {  	_ =	swait.ge [sflag:s19], $0x900  }
0xf7: {  	[sflag:s19] =	ssyncset.done $0x0  }
0xf8: {  	[sflag:s19] =	ssyncadd.s32 $0xFFFFF700  }
0xf9: {  	_ =	sfence.sel $0x180000  }
0xfa: {  	[bflag:$0x0] =	sbarrier.arrive $0xFFFF  }
0xfb: {  	p0 =	sne.s32 s0, $0x0;
	_ =	strace $0x90000047  }
0xfc: {  	s0 =	sadd.s32 @!p0 $0x100000, s1;
	[bflag:$0x2] =	sbarrier.arrive $0xFFFF  }
0xfd: {  	[sflag:s0] =	ssyncadd.tile.s32 @!p0 $0x1;
	_ =	shalt  }
.Lfunc_end2:
_tile_overlayer_lowered:
.L_overlay_start_2:
0xfe: {  	(tag) =	ssettag $0x2  }
0xff: {  	s0 =	rddreg [dreg:$0x0];
	s2 =	stileid.u32  }
0x100: {  	s1 =	rddreg [dreg:$0x1];
	p0 =	sne.s32 s2, $0x0  }
0x101: {  	s3 =	rddreg [dreg:$0x2];
	[bflag:$0x3] =	sbarrier.arrive $0xFFFF;
	s2 =	simm.s32 @!p0 $0x1C04  }
0x102: {  	[timem:s3], [sflag:s2] =	dma.local @!p0 [hbm:s0], s1  }
0x103: {  	s0 =	simm.s32 @!p0 $0x4  }
0x104: {  	_ =	swait.ge @!p0 [sflag:s0], s1  }
0x105: {  	s1 =	ssub.s32 @!p0 $0x0, s1;
	[sflag:s0] =	ssyncset.done @!p0 $0x0  }
0x106: {  	[sflag:s0] =	ssyncadd.s32 @!p0 s1  }
0x107: {  	[bflag:$0x3] =	sbarrier.arrive $0xFFFF  }
0x108: {  	_ =	shalt  }

</sc_bundles>
